<compile_context>
chip_gen: v7x
topology: tpu7x:2x2x1
jax: 0.10.2.dev20260603
libtpu: 0.0.44.dev20260713+nightly
codegen_flags: <defaults>
</compile_context>

<pallas_src>
import functools

import jax
import jax.numpy as jnp
from jax.experimental import pallas as pl
from jax.experimental.pallas import tpu as pltpu
from jax.experimental.pallas import tpu_sc as plsc

_NUM_FEATURES = 128
_NUM_PIDS = 100000
_NUM_CQ = 5000
_OIM_SCALAR = 30.0
_MARGIN = 0.3
_BATCH = 1024

_LN2 = 0.6931471805599453
_LOG2E = 1.4426950408889634


_SC_CORES = 2
_SC_SUBCORES = 16
_NW = _SC_CORES * _SC_SUBCORES
_BPW = _BATCH // _NW


@functools.lru_cache(maxsize=None)
def _make_sc_gather():
    @functools.partial(
        pl.kernel,
        mesh=plsc.VectorSubcoreMesh(core_axis_name="c", subcore_axis_name="s"),
        out_type=jax.ShapeDtypeStruct((_BATCH, _NUM_FEATURES), jnp.float32),
        scratch_types=[
            pltpu.VMEM((_BPW,), jnp.int32),
            pltpu.VMEM((_BPW, _NUM_FEATURES), jnp.float32),
            pltpu.SemaphoreType.DMA,
        ],
    )
    def _sc_gather(lut_hbm, idx_hbm, out_hbm, idx_v, rows_v, sem):
        wid = jax.lax.axis_index("s") * _SC_CORES + jax.lax.axis_index("c")
        base = wid * _BPW
        pltpu.sync_copy(idx_hbm.at[pl.ds(base, _BPW)], idx_v)
        pltpu.async_copy(lut_hbm.at[idx_v], rows_v, sem).wait()
        pltpu.sync_copy(rows_v, out_hbm.at[pl.ds(base, _BPW)])

    return _sc_gather



_BLK_F = 5000
_N_LUT_F = _NUM_PIDS // _BLK_F
_GRID_F = _N_LUT_F + 1
_SUB_F = 1000


def _lse_fast_body(x_ref, lut_ref, cq_ref, lse_ref, s_ref):
    step = pl.program_id(0)
    xb = x_ref[...]

    def _block_sum(e_ref, rows):
        acc = None
        for j in range(rows // _SUB_F):
            eb = e_ref[j * _SUB_F:(j + 1) * _SUB_F, :].astype(jnp.bfloat16)
            z = jax.lax.dot_general(
                xb, eb, (((1,), (1,)), ((), ())),
                preferred_element_type=jnp.float32).astype(jnp.bfloat16)
            bs = jnp.sum(jnp.exp2(z).astype(jnp.float32), axis=1,
                         keepdims=True)
            acc = bs if acc is None else acc + bs
        return acc

    @pl.when(step == 0)
    def _():
        s_ref[:, 0:1] = _block_sum(lut_ref, _BLK_F)

    @pl.when(jnp.logical_and(step > 0, step < _GRID_F - 1))
    def _():
        s_ref[:, 0:1] = s_ref[:, 0:1] + _block_sum(lut_ref, _BLK_F)

    @pl.when(step == _GRID_F - 1)
    def _():
        s = s_ref[:, 0:1] + _block_sum(cq_ref, _NUM_CQ)
        lse = _LN2 * jnp.log2(s)
        lse_ref[...] = jnp.broadcast_to(lse, (_BATCH, 128))


def _lse_fast_call(xs_b16, lut, cq):
    return pl.pallas_call(
        _lse_fast_body,
        grid=(_GRID_F,),
        in_specs=[
            pl.BlockSpec((_BATCH, _NUM_FEATURES), lambda i: (0, 0)),
            pl.BlockSpec((_BLK_F, _NUM_FEATURES),
                         lambda i: (jnp.minimum(i, _N_LUT_F - 1), 0)),
            pl.BlockSpec((_NUM_CQ, _NUM_FEATURES), lambda i: (0, 0)),
        ],
        out_specs=pl.BlockSpec((_BATCH, 128), lambda i: (0, 0)),
        out_shape=jax.ShapeDtypeStruct((_BATCH, 128), jnp.float32),
        scratch_shapes=[pltpu.VMEM((_BATCH, 128), jnp.float32)],
        compiler_params=pltpu.CompilerParams(
            dimension_semantics=("arbitrary",)),
    )(xs_b16, lut, cq)



_BLK = 4000
_N_LUT_BLKS = _NUM_PIDS // _BLK
_GRID = _N_LUT_BLKS + 1


def _lse_body(x_ref, lut_ref, cq_ref, lse_ref, m_ref, s_ref):
    step = pl.program_id(0)
    xb = x_ref[...]

    def _block_logits(e_ref):
        eb = e_ref[...].astype(jnp.bfloat16)
        return jax.lax.dot_general(
            xb, eb, (((1,), (1,)), ((), ())),
            preferred_element_type=jnp.float32)

    def _accum(e_ref):
        logits = _block_logits(e_ref)
        bm = jnp.max(logits, axis=1, keepdims=True)
        m_old = m_ref[:, 0:1]
        m_new = jnp.maximum(m_old, bm)
        bs = jnp.sum(jnp.exp2(logits - m_new), axis=1, keepdims=True)
        m_ref[:, 0:1] = m_new
        s_ref[:, 0:1] = s_ref[:, 0:1] * jnp.exp2(m_old - m_new) + bs

    @pl.when(step == 0)
    def _():
        logits = _block_logits(lut_ref)
        bm = jnp.max(logits, axis=1, keepdims=True)
        m_ref[:, 0:1] = bm
        s_ref[:, 0:1] = jnp.sum(jnp.exp2(logits - bm), axis=1, keepdims=True)

    @pl.when(jnp.logical_and(step > 0, step < _GRID - 1))
    def _():
        _accum(lut_ref)

    @pl.when(step == _GRID - 1)
    def _():
        _accum(cq_ref)
        lse = _LN2 * (m_ref[:, 0:1] + jnp.log2(s_ref[:, 0:1]))
        lse_ref[...] = jnp.broadcast_to(lse, (_BATCH, 128))


def _lse_call(xs_b16, lut, cq):
    return pl.pallas_call(
        _lse_body,
        grid=(_GRID,),
        in_specs=[
            pl.BlockSpec((_BATCH, _NUM_FEATURES), lambda i: (0, 0)),
            pl.BlockSpec((_BLK, _NUM_FEATURES),
                         lambda i: (jnp.minimum(i, _N_LUT_BLKS - 1), 0)),
            pl.BlockSpec((_NUM_CQ, _NUM_FEATURES), lambda i: (0, 0)),
        ],
        out_specs=pl.BlockSpec((_BATCH, 128), lambda i: (0, 0)),
        out_shape=jax.ShapeDtypeStruct((_BATCH, 128), jnp.float32),
        scratch_shapes=[
            pltpu.VMEM((_BATCH, 128), jnp.float32),
            pltpu.VMEM((_BATCH, 128), jnp.float32),
        ],
        compiler_params=pltpu.CompilerParams(
            dimension_semantics=("arbitrary",)),
    )(xs_b16, lut, cq)



_BIG = 1e30
_BIG_CHK = 1e29


def _loss_body(x_ref, pf_ref, lse_ref, labc_ref, labr_ref, oim_ref, tri_ref):
    x = x_ref[...]
    pf = pf_ref[...]
    lse = lse_ref[:, 0:1]

    logit_lab = _OIM_SCALAR * jnp.sum(x * pf, axis=1, keepdims=True)
    log_p = logit_lab - lse
    p = jnp.exp(log_p)
    focal = (1.0 - p) ** 2 * log_p
    oim_ref[...] = jnp.broadcast_to(-focal, (_BATCH, 128))

    feats = jnp.concatenate([x, pf], axis=0)
    feats2 = feats * feats
    sq_c = jnp.sum(feats2, axis=1, keepdims=True)
    ones_row = jnp.ones((1, _NUM_FEATURES), jnp.float32)
    sq_r = jax.lax.dot_general(
        ones_row, feats2, (((1,), (1,)), ((), ())),
        preferred_element_type=jnp.float32)
    g = jax.lax.dot_general(
        feats, feats, (((1,), (1,)), ((), ())),
        preferred_element_type=jnp.float32)
    d2 = (sq_c + sq_r) - 2.0 * g

    lab_c = labc_ref[:, 0:1]
    lab_r = labr_ref[0:1, :]
    same = lab_c == lab_r
    same_f = same.astype(jnp.bfloat16)
    n2 = 2 * _BATCH
    ones_col = jnp.ones((n2, 1), jnp.bfloat16)
    cnt_c = jax.lax.dot_general(
        same_f, ones_col, (((1,), (0,)), ((), ())),
        preferred_element_type=jnp.float32)
    cnt_r = jax.lax.dot_general(
        jnp.ones((1, n2), jnp.bfloat16), same_f, (((1,), (0,)), ((), ())),
        preferred_element_type=jnp.float32)
    keep_c = (lab_c >= 0) & (cnt_c >= 2.0)
    keep_r = (lab_r >= 0) & (cnt_r >= 2.0)

    ap2 = jnp.max(jnp.where(same, d2, -_BIG), axis=1, keepdims=True)
    pen_r = jnp.where(keep_r, 0.0, _BIG)
    an2 = jnp.min(jnp.where(same, _BIG, d2 + pen_r), axis=1, keepdims=True)
    dist_ap = jnp.sqrt(jnp.maximum(ap2, 1e-12))
    dist_an = jnp.sqrt(jnp.maximum(an2, 1e-12))
    anchor_ok = keep_c & (ap2 > -_BIG_CHK) & (an2 < _BIG_CHK)
    losses = jnp.maximum(dist_ap - dist_an + _MARGIN, 0.0)
    losses = jnp.where(anchor_ok, losses, 0.0)
    ok_f = anchor_ok.astype(jnp.float32)
    denom = jnp.maximum(jnp.sum(ok_f, axis=0, keepdims=True), 1.0)
    tri = jnp.sum(losses, axis=0, keepdims=True) / denom
    tri_ref[...] = jnp.broadcast_to(tri, (8, 128))


def _loss_call(x, pf, lse_b, labc, labr):
    return pl.pallas_call(
        _loss_body,
        out_shape=(
            jax.ShapeDtypeStruct((_BATCH, 128), jnp.float32),
            jax.ShapeDtypeStruct((8, 128), jnp.float32),
        ),
    )(x, pf, lse_b, labc, labr)


def kernel(inputs, roi_label, lut, cq, cq_omega):
    label = roi_label.astype(jnp.int32)
    pos_feats = _make_sc_gather()(lut, label)

    xs_b16 = (inputs * (_OIM_SCALAR * _LOG2E)).astype(jnp.bfloat16)
    lse_fast = _lse_fast_call(xs_b16, lut, cq)
    bad = jnp.logical_not(jnp.all(jnp.isfinite(lse_fast[:, 0])))
    lse_b = jax.lax.cond(
        bad, lambda: _lse_call(xs_b16, lut, cq), lambda: lse_fast)

    pos_pids = jnp.where(label > 0, label,
                         -2 - jnp.arange(_BATCH, dtype=jnp.int32))
    labels2 = jnp.concatenate([label, pos_pids]).astype(jnp.float32)
    labc = jnp.broadcast_to(labels2[:, None], (2 * _BATCH, 128))
    labr = jnp.broadcast_to(labels2[None, :], (8, 2 * _BATCH))

    oim, tri = _loss_call(inputs, pos_feats, lse_b, labc, labr)
    return oim[:, 0], tri[0, 0]

# --- scband reference (transcript-rebuilt; emitter-appended) ---
"""Pipeline reference for scband-oimloss-smrnew-focal-57741540327606 (READ-ONLY COPY).

The authoritative reference and input builder live on the scoring server;
editing this copy changes nothing except your own understanding.
"""

import jax, jax.numpy as jnp
import numpy as np

NUM_FEATURES = 128
NUM_PIDS = 100000
NUM_CQ = 5000
OIM_SCALAR = 30.0
MARGIN = 0.3
BATCH = 1024


def setup_inputs(seed: int = 0):
    key = jax.random.key(seed)
    k1, k2, k3, k4, k5 = jax.random.split(key, 5)
    inputs = jax.random.normal(k1, (BATCH, NUM_FEATURES), dtype=jnp.float32)
    roi_label = jax.random.randint(k2, (BATCH,), 0, NUM_PIDS)
    lut = 0.01 * jax.random.normal(k3, (NUM_PIDS, NUM_FEATURES), dtype=jnp.float32)
    cq = 0.01 * jax.random.normal(k4, (NUM_CQ, NUM_FEATURES), dtype=jnp.float32)
    cq_omega = jax.random.uniform(k5, (NUM_CQ,), dtype=jnp.float32)
    return {"inputs": inputs, "roi_label": roi_label, "lut": lut, "cq": cq, "cq_omega": cq_omega}


def _triplet_loss_filter(feats, labels, margin=MARGIN):
    # Batch-hard triplet loss restricted to labeled ids (>=0) that appear at least twice,
    # matching the standard TripletLossFilter used in person-search OIM variants.
    n = feats.shape[0]
    valid = labels >= 0
    same = (labels[:, None] == labels[None, :]) & valid[:, None] & valid[None, :]
    counts = jnp.sum(same, axis=1)
    keep = valid & (counts >= 2)
    sq = jnp.sum(feats * feats, axis=1)
    d2 = sq[:, None] + sq[None, :] - 2.0 * (feats @ feats.T)
    dist = jnp.sqrt(jnp.clip(d2, 1e-12, None))
    eye = jnp.eye(n, dtype=bool)
    pos_mask = same & keep[:, None] & keep[None, :] & (~eye)
    neg_mask = (~same) & keep[:, None] & keep[None, :]
    dist_ap = jnp.max(jnp.where(pos_mask, dist, -jnp.inf), axis=1)
    dist_an = jnp.min(jnp.where(neg_mask, dist, jnp.inf), axis=1)
    anchor_ok = keep & jnp.isfinite(dist_ap) & jnp.isfinite(dist_an)
    losses = jnp.maximum(dist_ap - dist_an + margin, 0.0)
    losses = jnp.where(anchor_ok, losses, 0.0)
    denom = jnp.maximum(jnp.sum(anchor_ok.astype(jnp.float32)), 1.0)
    return jnp.sum(losses) / denom


def reference(inputs, roi_label, lut, cq, cq_omega):
    # label filtering (label >= -1); with randint fill all labels pass
    inds = roi_label >= -1
    label = jnp.where(inds, roi_label, -1)
    x = jnp.where(inds[:, None], inputs, 0.0)

    # OIMSMRNew.forward: projections against LUT (labeled) and CQ (unlabeled)
    projected = jnp.concatenate([x @ lut.T, x @ cq.T], axis=1) * OIM_SCALAR
    n_cols = projected.shape[1]

    # focal NLL: nll_loss only reads the label column of (1-p)^2*log(p);
    # computed in log-space (mathematically identical to softmax -> log -> gather)
    lse = jax.nn.logsumexp(projected, axis=1)
    idx = jnp.clip(label, 0, n_cols - 1)
    logit_lab = jnp.take_along_axis(projected, idx[:, None], axis=1)[:, 0]
    log_p = logit_lab - lse
    p = jnp.exp(log_p)
    focal = (1.0 - p) ** 2 * log_p
    loss_oim = jnp.where(label == -1, 0.0, -focal)

    # labeled matching: gather lut rows for positive pids (detached in torch)
    pos = label > 0
    pos_pids = jnp.where(pos, label, -1)
    pos_feats = jax.lax.stop_gradient(lut[jnp.clip(label, 0, lut.shape[0] - 1)])
    pos_reid = jnp.concatenate([x, pos_feats], axis=0)
    pid_labels = jnp.concatenate([label, pos_pids], axis=0)
    loss_tri = _triplet_loss_filter(pos_reid, pid_labels)
    return (loss_oim, loss_tri)

if __name__ == "__main__":
    import jax
    _d = setup_inputs()
    print(jax.jit(kernel)(*tuple(_d.values())))

</pallas_src>

<mosaic_0001>
#map = affine_map<(d0, d1) -> (0, 0)>
#map1 = affine_map<(d0, d1) -> (0)>
module attributes {stable_mosaic.version = 14 : i64} {
  func.func @_sc_gather(%arg0: i32, %arg1: i32, %arg2: memref<100000x128xf32, #tpu.memory_space<hbm>>, %arg3: memref<1024xi32, #tpu.memory_space<hbm>>, %arg4: memref<1024x128xf32, #tpu.memory_space<hbm>>, %arg5: memref<32xi32, #tpu.memory_space<vmem>>, %arg6: memref<32x128xf32, #tpu.memory_space<vmem>>, %arg7: memref<!tpu.dma_semaphore, #tpu.memory_space<semaphore_mem>>) attributes {dimension_semantics = [#tpu.dimension_semantics<core_parallel>, #tpu.dimension_semantics<subcore_parallel>], iteration_bounds = array<i64: 2, 16>, scalar_prefetch = 0 : i64, scratch_operands = 3 : i64, tpu.core_type = #tpu.core_type<sc_vector_subcore>, window_params = [{transform_indices = #map}, {transform_indices = #map1}, {transform_indices = #map}]} {
    %mul3A = arith.constant 2 : i32
    %mul3A_0 = arith.muli %arg1, %mul3A : i32
    %add3A = arith.addi %mul3A_0, %arg0 : i32
    %mul3A_1 = arith.constant 32 : i32
    %mul3A_2 = arith.muli %add3A, %mul3A_1 : i32
    "tpu.region"() ({
      %run_scoped3A = tpu.sem_alloc : memref<!tpu.dma_semaphore, #tpu.memory_space<semaphore_mem>>
      %dma_start3A_7 = tpu.memref_slice %arg3[%mul3A_2] : memref<1024xi32, #tpu.memory_space<hbm>> -> memref<32xi32, #tpu.memory_space<hbm>>
      %dma_start3A_8 = tpu.memref_slice %arg3[%mul3A_2] : memref<1024xi32, #tpu.memory_space<hbm>> -> memref<32xi32, #tpu.memory_space<hbm>>
      tpu.enqueue_dma source(%dma_start3A_8 : memref<32xi32, #tpu.memory_space<hbm>>) target(%arg5 : memref<32xi32, #tpu.memory_space<vmem>>) target_semaphore(%run_scoped3A : memref<!tpu.dma_semaphore, #tpu.memory_space<semaphore_mem>>)
      %dma_wait3A_9 = tpu.memref_slice %arg3[%mul3A_2] : memref<1024xi32, #tpu.memory_space<hbm>> -> memref<32xi32, #tpu.memory_space<hbm>>
      %dma_wait3A_10 = tpu.memref_slice %arg3[%mul3A_2] : memref<1024xi32, #tpu.memory_space<hbm>> -> memref<32xi32, #tpu.memory_space<hbm>>
      tpu.wait_dma2 semaphore(%run_scoped3A : memref<!tpu.dma_semaphore, #tpu.memory_space<semaphore_mem>>) src(%dma_wait3A_10 : memref<32xi32, #tpu.memory_space<hbm>>) dst(%arg5 : memref<32xi32, #tpu.memory_space<vmem>>)
      tpu.yield
    }) : () -> ()
    %dma_start3A = arith.constant 0 : i32
    %dma_start3A_3 = arith.constant 0 : i32
    %dma_start3A_4 = tpu.memref_slice %arg2[%dma_start3A, %dma_start3A_3] : memref<100000x128xf32, #tpu.memory_space<hbm>> -> memref<100000x128xf32, #tpu.memory_space<hbm>>
    tpu.enqueue_indirect_dma source(%dma_start3A_4 : memref<100000x128xf32, #tpu.memory_space<hbm>>) target(%arg6 : memref<32x128xf32, #tpu.memory_space<vmem>>) offsets(%arg5 : memref<32xi32, #tpu.memory_space<vmem>>) semaphore(%arg7 : memref<!tpu.dma_semaphore, #tpu.memory_space<semaphore_mem>>)
    %dma_wait3A = arith.constant 0 : i32
    %dma_wait3A_5 = arith.constant 0 : i32
    %dma_wait3A_6 = tpu.memref_slice %arg2[%dma_wait3A, %dma_wait3A_5] : memref<100000x128xf32, #tpu.memory_space<hbm>> -> memref<100000x128xf32, #tpu.memory_space<hbm>>
    tpu.wait_indirect_dma semaphore(%arg7 : memref<!tpu.dma_semaphore, #tpu.memory_space<semaphore_mem>>) src(%dma_wait3A_6 : memref<100000x128xf32, #tpu.memory_space<hbm>>) dst(%arg6 : memref<32x128xf32, #tpu.memory_space<vmem>>)
    "tpu.region"() ({
      %run_scoped3A = tpu.sem_alloc : memref<!tpu.dma_semaphore, #tpu.memory_space<semaphore_mem>>
      %dma_start3A_7 = arith.constant 0 : i32
      %dma_start3A_8 = tpu.memref_slice %arg4[%mul3A_2, %dma_start3A_7] : memref<1024x128xf32, #tpu.memory_space<hbm>> -> memref<32x128xf32, #tpu.memory_space<hbm>>
      %dma_start3A_9 = arith.constant 0 : i32
      %dma_start3A_10 = tpu.memref_slice %arg4[%mul3A_2, %dma_start3A_9] : memref<1024x128xf32, #tpu.memory_space<hbm>> -> memref<32x128xf32, #tpu.memory_space<hbm>>
      tpu.enqueue_dma source(%arg6 : memref<32x128xf32, #tpu.memory_space<vmem>>) target(%dma_start3A_10 : memref<32x128xf32, #tpu.memory_space<hbm>>) target_semaphore(%run_scoped3A : memref<!tpu.dma_semaphore, #tpu.memory_space<semaphore_mem>>)
      %dma_wait3A_11 = arith.constant 0 : i32
      %dma_wait3A_12 = tpu.memref_slice %arg4[%mul3A_2, %dma_wait3A_11] : memref<1024x128xf32, #tpu.memory_space<hbm>> -> memref<32x128xf32, #tpu.memory_space<hbm>>
      %dma_wait3A_13 = arith.constant 0 : i32
      %dma_wait3A_14 = tpu.memref_slice %arg4[%mul3A_2, %dma_wait3A_13] : memref<1024x128xf32, #tpu.memory_space<hbm>> -> memref<32x128xf32, #tpu.memory_space<hbm>>
      tpu.wait_dma2 semaphore(%run_scoped3A : memref<!tpu.dma_semaphore, #tpu.memory_space<semaphore_mem>>) src(%arg6 : memref<32x128xf32, #tpu.memory_space<vmem>>) dst(%dma_wait3A_14 : memref<32x128xf32, #tpu.memory_space<hbm>>)
      tpu.yield
    }) : () -> ()
    return
  }
}

module attributes {stable_mosaic.version = 14 : i64} {
  func.func @_lse_body(%arg0: i32, %arg1: memref<1024x128xbf16, #tpu.memory_space<vmem>>, %arg2: memref<4000x128xf32, #tpu.memory_space<vmem>>, %arg3: memref<5000x128xf32, #tpu.memory_space<vmem>>, %arg4: memref<1024x128xf32, #tpu.memory_space<vmem>>, %arg5: memref<1024x128xf32, #tpu.memory_space<vmem>>, %arg6: memref<1024x128xf32, #tpu.memory_space<vmem>>) attributes {dimension_semantics = [#tpu.dimension_semantics<arbitrary>], iteration_bounds = array<i64: 26>, scalar_prefetch = 0 : i64, scratch_operands = 2 : i64, tpu.core_type = #tpu.core_type<tc>, window_params = [{pipeline_mode = #tpu.pipeline_mode<synchronous>, transform_indices = @transform_0, window_bounds = array<i64: 1024, 128>}, {transform_indices = @transform_1, window_bounds = array<i64: 4000, 128>}, {pipeline_mode = #tpu.pipeline_mode<synchronous>, transform_indices = @transform_2, window_bounds = array<i64: 5000, 128>}, {pipeline_mode = #tpu.pipeline_mode<synchronous>, transform_indices = @transform_3, window_bounds = array<i64: 1024, 128>}]} {
    %get3A = arith.constant 0 : index
    %get3A_0 = arith.constant 0 : index
    %get3A_1 = vector.load %arg1[%get3A, %get3A_0] : memref<1024x128xbf16, #tpu.memory_space<vmem>>, vector<1024x128xbf16>
    %eq3A = arith.constant 0 : i32
    %eq3A_2 = arith.cmpi eq, %arg0, %eq3A : i32
    %convert_element_type3A = arith.extui %eq3A_2 : i1 to i32
    %cond3A = arith.constant 0 : i32
    %cond3A_3 = arith.cmpi ne, %convert_element_type3A, %cond3A : i32
    scf.if %cond3A_3 {
      %get3A_14 = arith.constant 0 : index
      %get3A_15 = arith.constant 0 : index
      %get3A_16 = vector.load %arg2[%get3A_14, %get3A_15] : memref<4000x128xf32, #tpu.memory_space<vmem>>, vector<4000x128xf32>
      %convert_element_type3A_17 = arith.truncf %get3A_16 : vector<4000x128xf32> to vector<4000x128xbf16>
      %dot_general3A = arith.constant dense<0.000000e+00> : vector<1024x4000xf32>
      %dot_general3A_18 = tpu.matmul %get3A_1, %convert_element_type3A_17, %dot_general3A {dimension_numbers = #tpu.dot_dimension_numbers<[1], [1], [0], [0], [0, 0, 1, 0], [], []>, transpose_lhs_hint = false} : vector<1024x128xbf16>, vector<4000x128xbf16>, vector<1024x4000xf32> -> vector<1024x4000xf32>
      %reduce_max3A = arith.constant dense<0xFF800000> : vector<1024xf32>
      %reduce_max3A_19 = vector.multi_reduction <maximumf>, %dot_general3A_18, %reduce_max3A [1] : vector<1024x4000xf32> to vector<1024xf32>
      %broadcast_in_dim3A = vector.shape_cast %reduce_max3A_19 : vector<1024xf32> to vector<1024x1xf32>
      %swap3A = arith.constant 0 : index
      %swap3A_20 = arith.constant 0 : index
      %swap3A_21 = vector.load %arg5[%swap3A, %swap3A_20] : memref<1024x128xf32, #tpu.memory_space<vmem>>, vector<1024x1xf32>
      tpu.vector_store %arg5[%swap3A, %swap3A_20], %broadcast_in_dim3A {strides = array<i32>} : memref<1024x128xf32, #tpu.memory_space<vmem>>, vector<1024x1xf32>,
      %sub3A = vector.broadcast %broadcast_in_dim3A : vector<1024x1xf32> to vector<1024x4000xf32>
      %sub3A_22 = arith.subf %dot_general3A_18, %sub3A : vector<1024x4000xf32>
      %exp23A = math.exp2 %sub3A_22 : vector<1024x4000xf32>
      %reduce_sum3A = arith.constant dense<0.000000e+00> : vector<1024xf32>
      %reduce_sum3A_23 = vector.multi_reduction <add>, %exp23A, %reduce_sum3A [1] : vector<1024x4000xf32> to vector<1024xf32>
      %broadcast_in_dim3A_24 = vector.shape_cast %reduce_sum3A_23 : vector<1024xf32> to vector<1024x1xf32>
      %swap3A_25 = arith.constant 0 : index
      %swap3A_26 = arith.constant 0 : index
      %swap3A_27 = vector.load %arg6[%swap3A_25, %swap3A_26] : memref<1024x128xf32, #tpu.memory_space<vmem>>, vector<1024x1xf32>
      tpu.vector_store %arg6[%swap3A_25, %swap3A_26], %broadcast_in_dim3A_24 {strides = array<i32>} : memref<1024x128xf32, #tpu.memory_space<vmem>>, vector<1024x1xf32>,
    } else {
    }
    %gt3A = arith.constant 0 : i32
    %gt3A_4 = arith.cmpi sgt, %arg0, %gt3A : i32
    %lt3A = arith.constant 25 : i32
    %lt3A_5 = arith.cmpi slt, %arg0, %lt3A : i32
    %and3A = arith.andi %gt3A_4, %lt3A_5 : i1
    %convert_element_type3A_6 = arith.extui %and3A : i1 to i32
    %cond3A_7 = arith.constant 0 : i32
    %cond3A_8 = arith.cmpi ne, %convert_element_type3A_6, %cond3A_7 : i32
    scf.if %cond3A_8 {
      %get3A_14 = arith.constant 0 : index
      %get3A_15 = arith.constant 0 : index
      %get3A_16 = vector.load %arg2[%get3A_14, %get3A_15] : memref<4000x128xf32, #tpu.memory_space<vmem>>, vector<4000x128xf32>
      %convert_element_type3A_17 = arith.truncf %get3A_16 : vector<4000x128xf32> to vector<4000x128xbf16>
      %dot_general3A = arith.constant dense<0.000000e+00> : vector<1024x4000xf32>
      %dot_general3A_18 = tpu.matmul %get3A_1, %convert_element_type3A_17, %dot_general3A {dimension_numbers = #tpu.dot_dimension_numbers<[1], [1], [0], [0], [0, 0, 1, 0], [], []>, transpose_lhs_hint = false} : vector<1024x128xbf16>, vector<4000x128xbf16>, vector<1024x4000xf32> -> vector<1024x4000xf32>
      %reduce_max3A = arith.constant dense<0xFF800000> : vector<1024xf32>
      %reduce_max3A_19 = vector.multi_reduction <maximumf>, %dot_general3A_18, %reduce_max3A [1] : vector<1024x4000xf32> to vector<1024xf32>
      %broadcast_in_dim3A = vector.shape_cast %reduce_max3A_19 : vector<1024xf32> to vector<1024x1xf32>
      %get3A_20 = arith.constant 0 : index
      %get3A_21 = arith.constant 0 : index
      %get3A_22 = vector.load %arg5[%get3A_20, %get3A_21] : memref<1024x128xf32, #tpu.memory_space<vmem>>, vector<1024x1xf32>
      %max3A = arith.maximumf %get3A_22, %broadcast_in_dim3A : vector<1024x1xf32>
      %sub3A = vector.broadcast %max3A : vector<1024x1xf32> to vector<1024x4000xf32>
      %sub3A_23 = arith.subf %dot_general3A_18, %sub3A : vector<1024x4000xf32>
      %exp23A = math.exp2 %sub3A_23 : vector<1024x4000xf32>
      %reduce_sum3A = arith.constant dense<0.000000e+00> : vector<1024xf32>
      %reduce_sum3A_24 = vector.multi_reduction <add>, %exp23A, %reduce_sum3A [1] : vector<1024x4000xf32> to vector<1024xf32>
      %broadcast_in_dim3A_25 = vector.shape_cast %reduce_sum3A_24 : vector<1024xf32> to vector<1024x1xf32>
      %swap3A = arith.constant 0 : index
      %swap3A_26 = arith.constant 0 : index
      %swap3A_27 = vector.load %arg5[%swap3A, %swap3A_26] : memref<1024x128xf32, #tpu.memory_space<vmem>>, vector<1024x1xf32>
      tpu.vector_store %arg5[%swap3A, %swap3A_26], %max3A {strides = array<i32>} : memref<1024x128xf32, #tpu.memory_space<vmem>>, vector<1024x1xf32>,
      %get3A_28 = arith.constant 0 : index
      %get3A_29 = arith.constant 0 : index
      %get3A_30 = vector.load %arg6[%get3A_28, %get3A_29] : memref<1024x128xf32, #tpu.memory_space<vmem>>, vector<1024x1xf32>
      %sub3A_31 = arith.subf %get3A_22, %max3A : vector<1024x1xf32>
      %exp23A_32 = math.exp2 %sub3A_31 : vector<1024x1xf32>
      %mul3A = arith.mulf %get3A_30, %exp23A_32 : vector<1024x1xf32>
      %add3A = arith.addf %mul3A, %broadcast_in_dim3A_25 : vector<1024x1xf32>
      %swap3A_33 = arith.constant 0 : index
      %swap3A_34 = arith.constant 0 : index
      %swap3A_35 = vector.load %arg6[%swap3A_33, %swap3A_34] : memref<1024x128xf32, #tpu.memory_space<vmem>>, vector<1024x1xf32>
      tpu.vector_store %arg6[%swap3A_33, %swap3A_34], %add3A {strides = array<i32>} : memref<1024x128xf32, #tpu.memory_space<vmem>>, vector<1024x1xf32>,
    } else {
    }
    %eq3A_9 = arith.constant 25 : i32
    %eq3A_10 = arith.cmpi eq, %arg0, %eq3A_9 : i32
    %convert_element_type3A_11 = arith.extui %eq3A_10 : i1 to i32
    %cond3A_12 = arith.constant 0 : i32
    %cond3A_13 = arith.cmpi ne, %convert_element_type3A_11, %cond3A_12 : i32
    scf.if %cond3A_13 {
      %get3A_14 = arith.constant 0 : index
      %get3A_15 = arith.constant 0 : index
      %get3A_16 = vector.load %arg3[%get3A_14, %get3A_15] : memref<5000x128xf32, #tpu.memory_space<vmem>>, vector<5000x128xf32>
      %convert_element_type3A_17 = arith.truncf %get3A_16 : vector<5000x128xf32> to vector<5000x128xbf16>
      %dot_general3A = arith.constant dense<0.000000e+00> : vector<1024x5000xf32>
      %dot_general3A_18 = tpu.matmul %get3A_1, %convert_element_type3A_17, %dot_general3A {dimension_numbers = #tpu.dot_dimension_numbers<[1], [1], [0], [0], [0, 0, 1, 0], [], []>, transpose_lhs_hint = false} : vector<1024x128xbf16>, vector<5000x128xbf16>, vector<1024x5000xf32> -> vector<1024x5000xf32>
      %reduce_max3A = arith.constant dense<0xFF800000> : vector<1024xf32>
      %reduce_max3A_19 = vector.multi_reduction <maximumf>, %dot_general3A_18, %reduce_max3A [1] : vector<1024x5000xf32> to vector<1024xf32>
      %broadcast_in_dim3A = vector.shape_cast %reduce_max3A_19 : vector<1024xf32> to vector<1024x1xf32>
      %get3A_20 = arith.constant 0 : index
      %get3A_21 = arith.constant 0 : index
      %get3A_22 = vector.load %arg5[%get3A_20, %get3A_21] : memref<1024x128xf32, #tpu.memory_space<vmem>>, vector<1024x1xf32>
      %max3A = arith.maximumf %get3A_22, %broadcast_in_dim3A : vector<1024x1xf32>
      %sub3A = vector.broadcast %max3A : vector<1024x1xf32> to vector<1024x5000xf32>
      %sub3A_23 = arith.subf %dot_general3A_18, %sub3A : vector<1024x5000xf32>
      %exp23A = math.exp2 %sub3A_23 : vector<1024x5000xf32>
      %reduce_sum3A = arith.constant dense<0.000000e+00> : vector<1024xf32>
      %reduce_sum3A_24 = vector.multi_reduction <add>, %exp23A, %reduce_sum3A [1] : vector<1024x5000xf32> to vector<1024xf32>
      %broadcast_in_dim3A_25 = vector.shape_cast %reduce_sum3A_24 : vector<1024xf32> to vector<1024x1xf32>
      %swap3A = arith.constant 0 : index
      %swap3A_26 = arith.constant 0 : index
      %swap3A_27 = vector.load %arg5[%swap3A, %swap3A_26] : memref<1024x128xf32, #tpu.memory_space<vmem>>, vector<1024x1xf32>
      tpu.vector_store %arg5[%swap3A, %swap3A_26], %max3A {strides = array<i32>} : memref<1024x128xf32, #tpu.memory_space<vmem>>, vector<1024x1xf32>,
      %get3A_28 = arith.constant 0 : index
      %get3A_29 = arith.constant 0 : index
      %get3A_30 = vector.load %arg6[%get3A_28, %get3A_29] : memref<1024x128xf32, #tpu.memory_space<vmem>>, vector<1024x1xf32>
      %sub3A_31 = arith.subf %get3A_22, %max3A : vector<1024x1xf32>
      %exp23A_32 = math.exp2 %sub3A_31 : vector<1024x1xf32>
      %mul3A = arith.mulf %get3A_30, %exp23A_32 : vector<1024x1xf32>
      %add3A = arith.addf %mul3A, %broadcast_in_dim3A_25 : vector<1024x1xf32>
      %swap3A_33 = arith.constant 0 : index
      %swap3A_34 = arith.constant 0 : index
      %swap3A_35 = vector.load %arg6[%swap3A_33, %swap3A_34] : memref<1024x128xf32, #tpu.memory_space<vmem>>, vector<1024x1xf32>
      tpu.vector_store %arg6[%swap3A_33, %swap3A_34], %add3A {strides = array<i32>} : memref<1024x128xf32, #tpu.memory_space<vmem>>, vector<1024x1xf32>,
      %get3A_36 = arith.constant 0 : index
      %get3A_37 = arith.constant 0 : index
      %get3A_38 = vector.load %arg5[%get3A_36, %get3A_37] : memref<1024x128xf32, #tpu.memory_space<vmem>>, vector<1024x1xf32>
      %get3A_39 = arith.constant 0 : index
      %get3A_40 = arith.constant 0 : index
      %get3A_41 = vector.load %arg6[%get3A_39, %get3A_40] : memref<1024x128xf32, #tpu.memory_space<vmem>>, vector<1024x1xf32>
      %log3A = math.log %get3A_41 : vector<1024x1xf32>
      %log3A_42 = arith.constant 2.000000e+00 : f32
      %log3A_43 = math.log %log3A_42 : f32
      %div3A = vector.broadcast %log3A_43 : f32 to vector<1024x1xf32>
      %div3A_44 = arith.divf %log3A, %div3A : vector<1024x1xf32>
      %add3A_45 = arith.addf %get3A_38, %div3A_44 : vector<1024x1xf32>
      %mul3A_46 = arith.constant 0.693147182 : f32
      %mul3A_47 = vector.broadcast %mul3A_46 : f32 to vector<1024x1xf32>
      %mul3A_48 = arith.mulf %mul3A_47, %add3A_45 : vector<1024x1xf32>
      %broadcast_in_dim3A_49 = vector.shape_cast %mul3A_48 : vector<1024x1xf32> to vector<1024x1xf32>
      %broadcast_in_dim3A_50 = vector.broadcast %broadcast_in_dim3A_49 : vector<1024x1xf32> to vector<1024x128xf32>
      %swap3A_51 = arith.constant 0 : index
      %swap3A_52 = arith.constant 0 : index
      %swap3A_53 = vector.load %arg4[%swap3A_51, %swap3A_52] : memref<1024x128xf32, #tpu.memory_space<vmem>>, vector<1024x128xf32>
      tpu.vector_store %arg4[%swap3A_51, %swap3A_52], %broadcast_in_dim3A_50 {strides = array<i32>} : memref<1024x128xf32, #tpu.memory_space<vmem>>, vector<1024x128xf32>,
    } else {
    }
    return
  }
  func.func @transform_0(%arg0: i32) -> (i32, i32) {
    %c0_i32 = arith.constant 0 : i32
    %c0_i32_0 = arith.constant 0 : i32
    %c0_i32_1 = arith.constant 0 : i32
    return %c0_i32, %c0_i32_0 : i32, i32
  }
  func.func @transform_1(%arg0: i32) -> (i32, i32) {
    %min3A = arith.constant 24 : i32
    %min3A_0 = arith.minsi %arg0, %min3A : i32
    %c0_i32 = arith.constant 0 : i32
    %c0_i32_1 = arith.constant 0 : i32
    return %min3A_0, %c0_i32 : i32, i32
  }
  func.func @transform_2(%arg0: i32) -> (i32, i32) {
    %c0_i32 = arith.constant 0 : i32
    %c0_i32_0 = arith.constant 0 : i32
    %c0_i32_1 = arith.constant 0 : i32
    return %c0_i32, %c0_i32_0 : i32, i32
  }
  func.func @transform_3(%arg0: i32) -> (i32, i32) {
    %c0_i32 = arith.constant 0 : i32
    %c0_i32_0 = arith.constant 0 : i32
    %c0_i32_1 = arith.constant 0 : i32
    return %c0_i32, %c0_i32_0 : i32, i32
  }
}

module attributes {stable_mosaic.version = 14 : i64} {
  func.func @_lse_fast_body(%arg0: i32, %arg1: memref<1024x128xbf16, #tpu.memory_space<vmem>>, %arg2: memref<5000x128xf32, #tpu.memory_space<vmem>>, %arg3: memref<5000x128xf32, #tpu.memory_space<vmem>>, %arg4: memref<1024x128xf32, #tpu.memory_space<vmem>>, %arg5: memref<1024x128xf32, #tpu.memory_space<vmem>>) attributes {dimension_semantics = [#tpu.dimension_semantics<arbitrary>], iteration_bounds = array<i64: 21>, scalar_prefetch = 0 : i64, scratch_operands = 1 : i64, tpu.core_type = #tpu.core_type<tc>, window_params = [{pipeline_mode = #tpu.pipeline_mode<synchronous>, transform_indices = @transform_0, window_bounds = array<i64: 1024, 128>}, {transform_indices = @transform_1, window_bounds = array<i64: 5000, 128>}, {pipeline_mode = #tpu.pipeline_mode<synchronous>, transform_indices = @transform_2, window_bounds = array<i64: 5000, 128>}, {pipeline_mode = #tpu.pipeline_mode<synchronous>, transform_indices = @transform_3, window_bounds = array<i64: 1024, 128>}]} {
    %get3A = arith.constant 0 : index
    %get3A_0 = arith.constant 0 : index
    %get3A_1 = vector.load %arg1[%get3A, %get3A_0] : memref<1024x128xbf16, #tpu.memory_space<vmem>>, vector<1024x128xbf16>
    %eq3A = arith.constant 0 : i32
    %eq3A_2 = arith.cmpi eq, %arg0, %eq3A : i32
    %convert_element_type3A = arith.extui %eq3A_2 : i1 to i32
    %cond3A = arith.constant 0 : i32
    %cond3A_3 = arith.cmpi ne, %convert_element_type3A, %cond3A : i32
    scf.if %cond3A_3 {
      %get3A_14 = arith.constant 0 : index
      %get3A_15 = arith.constant 0 : index
      %get3A_16 = vector.load %arg2[%get3A_14, %get3A_15] : memref<5000x128xf32, #tpu.memory_space<vmem>>, vector<1000x128xf32>
      %convert_element_type3A_17 = arith.truncf %get3A_16 : vector<1000x128xf32> to vector<1000x128xbf16>
      %dot_general3A = arith.constant dense<0.000000e+00> : vector<1024x1000xf32>
      %dot_general3A_18 = tpu.matmul %get3A_1, %convert_element_type3A_17, %dot_general3A {dimension_numbers = #tpu.dot_dimension_numbers<[1], [1], [0], [0], [0, 0, 1, 0], [], []>, transpose_lhs_hint = false} : vector<1024x128xbf16>, vector<1000x128xbf16>, vector<1024x1000xf32> -> vector<1024x1000xf32>
      %convert_element_type3A_19 = arith.truncf %dot_general3A_18 : vector<1024x1000xf32> to vector<1024x1000xbf16>
      %exp23A = math.exp2 %convert_element_type3A_19 : vector<1024x1000xbf16>
      %convert_element_type3A_20 = arith.extf %exp23A : vector<1024x1000xbf16> to vector<1024x1000xf32>
      %reduce_sum3A = arith.constant dense<0.000000e+00> : vector<1024xf32>
      %reduce_sum3A_21 = vector.multi_reduction <add>, %convert_element_type3A_20, %reduce_sum3A [1] : vector<1024x1000xf32> to vector<1024xf32>
      %broadcast_in_dim3A = vector.shape_cast %reduce_sum3A_21 : vector<1024xf32> to vector<1024x1xf32>
      %get3A_22 = arith.constant 1000 : index
      %get3A_23 = arith.constant 0 : index
      %get3A_24 = vector.load %arg2[%get3A_22, %get3A_23] : memref<5000x128xf32, #tpu.memory_space<vmem>>, vector<1000x128xf32>
      %convert_element_type3A_25 = arith.truncf %get3A_24 : vector<1000x128xf32> to vector<1000x128xbf16>
      %dot_general3A_26 = arith.constant dense<0.000000e+00> : vector<1024x1000xf32>
      %dot_general3A_27 = tpu.matmul %get3A_1, %convert_element_type3A_25, %dot_general3A_26 {dimension_numbers = #tpu.dot_dimension_numbers<[1], [1], [0], [0], [0, 0, 1, 0], [], []>, transpose_lhs_hint = false} : vector<1024x128xbf16>, vector<1000x128xbf16>, vector<1024x1000xf32> -> vector<1024x1000xf32>
      %convert_element_type3A_28 = arith.truncf %dot_general3A_27 : vector<1024x1000xf32> to vector<1024x1000xbf16>
      %exp23A_29 = math.exp2 %convert_element_type3A_28 : vector<1024x1000xbf16>
      %convert_element_type3A_30 = arith.extf %exp23A_29 : vector<1024x1000xbf16> to vector<1024x1000xf32>
      %reduce_sum3A_31 = arith.constant dense<0.000000e+00> : vector<1024xf32>
      %reduce_sum3A_32 = vector.multi_reduction <add>, %convert_element_type3A_30, %reduce_sum3A_31 [1] : vector<1024x1000xf32> to vector<1024xf32>
      %broadcast_in_dim3A_33 = vector.shape_cast %reduce_sum3A_32 : vector<1024xf32> to vector<1024x1xf32>
      %add3A = arith.addf %broadcast_in_dim3A, %broadcast_in_dim3A_33 : vector<1024x1xf32>
      %get3A_34 = arith.constant 2000 : index
      %get3A_35 = arith.constant 0 : index
      %get3A_36 = vector.load %arg2[%get3A_34, %get3A_35] : memref<5000x128xf32, #tpu.memory_space<vmem>>, vector<1000x128xf32>
      %convert_element_type3A_37 = arith.truncf %get3A_36 : vector<1000x128xf32> to vector<1000x128xbf16>
      %dot_general3A_38 = arith.constant dense<0.000000e+00> : vector<1024x1000xf32>
      %dot_general3A_39 = tpu.matmul %get3A_1, %convert_element_type3A_37, %dot_general3A_38 {dimension_numbers = #tpu.dot_dimension_numbers<[1], [1], [0], [0], [0, 0, 1, 0], [], []>, transpose_lhs_hint = false} : vector<1024x128xbf16>, vector<1000x128xbf16>, vector<1024x1000xf32> -> vector<1024x1000xf32>
      %convert_element_type3A_40 = arith.truncf %dot_general3A_39 : vector<1024x1000xf32> to vector<1024x1000xbf16>
      %exp23A_41 = math.exp2 %convert_element_type3A_40 : vector<1024x1000xbf16>
      %convert_element_type3A_42 = arith.extf %exp23A_41 : vector<1024x1000xbf16> to vector<1024x1000xf32>
      %reduce_sum3A_43 = arith.constant dense<0.000000e+00> : vector<1024xf32>
      %reduce_sum3A_44 = vector.multi_reduction <add>, %convert_element_type3A_42, %reduce_sum3A_43 [1] : vector<1024x1000xf32> to vector<1024xf32>
      %broadcast_in_dim3A_45 = vector.shape_cast %reduce_sum3A_44 : vector<1024xf32> to vector<1024x1xf32>
      %add3A_46 = arith.addf %add3A, %broadcast_in_dim3A_45 : vector<1024x1xf32>
      %get3A_47 = arith.constant 3000 : index
      %get3A_48 = arith.constant 0 : index
      %get3A_49 = vector.load %arg2[%get3A_47, %get3A_48] : memref<5000x128xf32, #tpu.memory_space<vmem>>, vector<1000x128xf32>
      %convert_element_type3A_50 = arith.truncf %get3A_49 : vector<1000x128xf32> to vector<1000x128xbf16>
      %dot_general3A_51 = arith.constant dense<0.000000e+00> : vector<1024x1000xf32>
      %dot_general3A_52 = tpu.matmul %get3A_1, %convert_element_type3A_50, %dot_general3A_51 {dimension_numbers = #tpu.dot_dimension_numbers<[1], [1], [0], [0], [0, 0, 1, 0], [], []>, transpose_lhs_hint = false} : vector<1024x128xbf16>, vector<1000x128xbf16>, vector<1024x1000xf32> -> vector<1024x1000xf32>
      %convert_element_type3A_53 = arith.truncf %dot_general3A_52 : vector<1024x1000xf32> to vector<1024x1000xbf16>
      %exp23A_54 = math.exp2 %convert_element_type3A_53 : vector<1024x1000xbf16>
      %convert_element_type3A_55 = arith.extf %exp23A_54 : vector<1024x1000xbf16> to vector<1024x1000xf32>
      %reduce_sum3A_56 = arith.constant dense<0.000000e+00> : vector<1024xf32>
      %reduce_sum3A_57 = vector.multi_reduction <add>, %convert_element_type3A_55, %reduce_sum3A_56 [1] : vector<1024x1000xf32> to vector<1024xf32>
      %broadcast_in_dim3A_58 = vector.shape_cast %reduce_sum3A_57 : vector<1024xf32> to vector<1024x1xf32>
      %add3A_59 = arith.addf %add3A_46, %broadcast_in_dim3A_58 : vector<1024x1xf32>
      %get3A_60 = arith.constant 4000 : index
      %get3A_61 = arith.constant 0 : index
      %get3A_62 = vector.load %arg2[%get3A_60, %get3A_61] : memref<5000x128xf32, #tpu.memory_space<vmem>>, vector<1000x128xf32>
      %convert_element_type3A_63 = arith.truncf %get3A_62 : vector<1000x128xf32> to vector<1000x128xbf16>
      %dot_general3A_64 = arith.constant dense<0.000000e+00> : vector<1024x1000xf32>
      %dot_general3A_65 = tpu.matmul %get3A_1, %convert_element_type3A_63, %dot_general3A_64 {dimension_numbers = #tpu.dot_dimension_numbers<[1], [1], [0], [0], [0, 0, 1, 0], [], []>, transpose_lhs_hint = false} : vector<1024x128xbf16>, vector<1000x128xbf16>, vector<1024x1000xf32> -> vector<1024x1000xf32>
      %convert_element_type3A_66 = arith.truncf %dot_general3A_65 : vector<1024x1000xf32> to vector<1024x1000xbf16>
      %exp23A_67 = math.exp2 %convert_element_type3A_66 : vector<1024x1000xbf16>
      %convert_element_type3A_68 = arith.extf %exp23A_67 : vector<1024x1000xbf16> to vector<1024x1000xf32>
      %reduce_sum3A_69 = arith.constant dense<0.000000e+00> : vector<1024xf32>
      %reduce_sum3A_70 = vector.multi_reduction <add>, %convert_element_type3A_68, %reduce_sum3A_69 [1] : vector<1024x1000xf32> to vector<1024xf32>
      %broadcast_in_dim3A_71 = vector.shape_cast %reduce_sum3A_70 : vector<1024xf32> to vector<1024x1xf32>
      %add3A_72 = arith.addf %add3A_59, %broadcast_in_dim3A_71 : vector<1024x1xf32>
      %swap3A = arith.constant 0 : index
      %swap3A_73 = arith.constant 0 : index
      %swap3A_74 = vector.load %arg5[%swap3A, %swap3A_73] : memref<1024x128xf32, #tpu.memory_space<vmem>>, vector<1024x1xf32>
      tpu.vector_store %arg5[%swap3A, %swap3A_73], %add3A_72 {strides = array<i32>} : memref<1024x128xf32, #tpu.memory_space<vmem>>, vector<1024x1xf32>,
    } else {
    }
    %gt3A = arith.constant 0 : i32
    %gt3A_4 = arith.cmpi sgt, %arg0, %gt3A : i32
    %lt3A = arith.constant 20 : i32
    %lt3A_5 = arith.cmpi slt, %arg0, %lt3A : i32
    %and3A = arith.andi %gt3A_4, %lt3A_5 : i1
    %convert_element_type3A_6 = arith.extui %and3A : i1 to i32
    %cond3A_7 = arith.constant 0 : i32
    %cond3A_8 = arith.cmpi ne, %convert_element_type3A_6, %cond3A_7 : i32
    scf.if %cond3A_8 {
      %get3A_14 = arith.constant 0 : index
      %get3A_15 = arith.constant 0 : index
      %get3A_16 = vector.load %arg5[%get3A_14, %get3A_15] : memref<1024x128xf32, #tpu.memory_space<vmem>>, vector<1024x1xf32>
      %get3A_17 = arith.constant 0 : index
      %get3A_18 = arith.constant 0 : index
      %get3A_19 = vector.load %arg2[%get3A_17, %get3A_18] : memref<5000x128xf32, #tpu.memory_space<vmem>>, vector<1000x128xf32>
      %convert_element_type3A_20 = arith.truncf %get3A_19 : vector<1000x128xf32> to vector<1000x128xbf16>
      %dot_general3A = arith.constant dense<0.000000e+00> : vector<1024x1000xf32>
      %dot_general3A_21 = tpu.matmul %get3A_1, %convert_element_type3A_20, %dot_general3A {dimension_numbers = #tpu.dot_dimension_numbers<[1], [1], [0], [0], [0, 0, 1, 0], [], []>, transpose_lhs_hint = false} : vector<1024x128xbf16>, vector<1000x128xbf16>, vector<1024x1000xf32> -> vector<1024x1000xf32>
      %convert_element_type3A_22 = arith.truncf %dot_general3A_21 : vector<1024x1000xf32> to vector<1024x1000xbf16>
      %exp23A = math.exp2 %convert_element_type3A_22 : vector<1024x1000xbf16>
      %convert_element_type3A_23 = arith.extf %exp23A : vector<1024x1000xbf16> to vector<1024x1000xf32>
      %reduce_sum3A = arith.constant dense<0.000000e+00> : vector<1024xf32>
      %reduce_sum3A_24 = vector.multi_reduction <add>, %convert_element_type3A_23, %reduce_sum3A [1] : vector<1024x1000xf32> to vector<1024xf32>
      %broadcast_in_dim3A = vector.shape_cast %reduce_sum3A_24 : vector<1024xf32> to vector<1024x1xf32>
      %get3A_25 = arith.constant 1000 : index
      %get3A_26 = arith.constant 0 : index
      %get3A_27 = vector.load %arg2[%get3A_25, %get3A_26] : memref<5000x128xf32, #tpu.memory_space<vmem>>, vector<1000x128xf32>
      %convert_element_type3A_28 = arith.truncf %get3A_27 : vector<1000x128xf32> to vector<1000x128xbf16>
      %dot_general3A_29 = arith.constant dense<0.000000e+00> : vector<1024x1000xf32>
      %dot_general3A_30 = tpu.matmul %get3A_1, %convert_element_type3A_28, %dot_general3A_29 {dimension_numbers = #tpu.dot_dimension_numbers<[1], [1], [0], [0], [0, 0, 1, 0], [], []>, transpose_lhs_hint = false} : vector<1024x128xbf16>, vector<1000x128xbf16>, vector<1024x1000xf32> -> vector<1024x1000xf32>
      %convert_element_type3A_31 = arith.truncf %dot_general3A_30 : vector<1024x1000xf32> to vector<1024x1000xbf16>
      %exp23A_32 = math.exp2 %convert_element_type3A_31 : vector<1024x1000xbf16>
      %convert_element_type3A_33 = arith.extf %exp23A_32 : vector<1024x1000xbf16> to vector<1024x1000xf32>
      %reduce_sum3A_34 = arith.constant dense<0.000000e+00> : vector<1024xf32>
      %reduce_sum3A_35 = vector.multi_reduction <add>, %convert_element_type3A_33, %reduce_sum3A_34 [1] : vector<1024x1000xf32> to vector<1024xf32>
      %broadcast_in_dim3A_36 = vector.shape_cast %reduce_sum3A_35 : vector<1024xf32> to vector<1024x1xf32>
      %add3A = arith.addf %broadcast_in_dim3A, %broadcast_in_dim3A_36 : vector<1024x1xf32>
      %get3A_37 = arith.constant 2000 : index
      %get3A_38 = arith.constant 0 : index
      %get3A_39 = vector.load %arg2[%get3A_37, %get3A_38] : memref<5000x128xf32, #tpu.memory_space<vmem>>, vector<1000x128xf32>
      %convert_element_type3A_40 = arith.truncf %get3A_39 : vector<1000x128xf32> to vector<1000x128xbf16>
      %dot_general3A_41 = arith.constant dense<0.000000e+00> : vector<1024x1000xf32>
      %dot_general3A_42 = tpu.matmul %get3A_1, %convert_element_type3A_40, %dot_general3A_41 {dimension_numbers = #tpu.dot_dimension_numbers<[1], [1], [0], [0], [0, 0, 1, 0], [], []>, transpose_lhs_hint = false} : vector<1024x128xbf16>, vector<1000x128xbf16>, vector<1024x1000xf32> -> vector<1024x1000xf32>
      %convert_element_type3A_43 = arith.truncf %dot_general3A_42 : vector<1024x1000xf32> to vector<1024x1000xbf16>
      %exp23A_44 = math.exp2 %convert_element_type3A_43 : vector<1024x1000xbf16>
      %convert_element_type3A_45 = arith.extf %exp23A_44 : vector<1024x1000xbf16> to vector<1024x1000xf32>
      %reduce_sum3A_46 = arith.constant dense<0.000000e+00> : vector<1024xf32>
      %reduce_sum3A_47 = vector.multi_reduction <add>, %convert_element_type3A_45, %reduce_sum3A_46 [1] : vector<1024x1000xf32> to vector<1024xf32>
      %broadcast_in_dim3A_48 = vector.shape_cast %reduce_sum3A_47 : vector<1024xf32> to vector<1024x1xf32>
      %add3A_49 = arith.addf %add3A, %broadcast_in_dim3A_48 : vector<1024x1xf32>
      %get3A_50 = arith.constant 3000 : index
      %get3A_51 = arith.constant 0 : index
      %get3A_52 = vector.load %arg2[%get3A_50, %get3A_51] : memref<5000x128xf32, #tpu.memory_space<vmem>>, vector<1000x128xf32>
      %convert_element_type3A_53 = arith.truncf %get3A_52 : vector<1000x128xf32> to vector<1000x128xbf16>
      %dot_general3A_54 = arith.constant dense<0.000000e+00> : vector<1024x1000xf32>
      %dot_general3A_55 = tpu.matmul %get3A_1, %convert_element_type3A_53, %dot_general3A_54 {dimension_numbers = #tpu.dot_dimension_numbers<[1], [1], [0], [0], [0, 0, 1, 0], [], []>, transpose_lhs_hint = false} : vector<1024x128xbf16>, vector<1000x128xbf16>, vector<1024x1000xf32> -> vector<1024x1000xf32>
      %convert_element_type3A_56 = arith.truncf %dot_general3A_55 : vector<1024x1000xf32> to vector<1024x1000xbf16>
      %exp23A_57 = math.exp2 %convert_element_type3A_56 : vector<1024x1000xbf16>
      %convert_element_type3A_58 = arith.extf %exp23A_57 : vector<1024x1000xbf16> to vector<1024x1000xf32>
      %reduce_sum3A_59 = arith.constant dense<0.000000e+00> : vector<1024xf32>
      %reduce_sum3A_60 = vector.multi_reduction <add>, %convert_element_type3A_58, %reduce_sum3A_59 [1] : vector<1024x1000xf32> to vector<1024xf32>
      %broadcast_in_dim3A_61 = vector.shape_cast %reduce_sum3A_60 : vector<1024xf32> to vector<1024x1xf32>
      %add3A_62 = arith.addf %add3A_49, %broadcast_in_dim3A_61 : vector<1024x1xf32>
      %get3A_63 = arith.constant 4000 : index
      %get3A_64 = arith.constant 0 : index
      %get3A_65 = vector.load %arg2[%get3A_63, %get3A_64] : memref<5000x128xf32, #tpu.memory_space<vmem>>, vector<1000x128xf32>
      %convert_element_type3A_66 = arith.truncf %get3A_65 : vector<1000x128xf32> to vector<1000x128xbf16>
      %dot_general3A_67 = arith.constant dense<0.000000e+00> : vector<1024x1000xf32>
      %dot_general3A_68 = tpu.matmul %get3A_1, %convert_element_type3A_66, %dot_general3A_67 {dimension_numbers = #tpu.dot_dimension_numbers<[1], [1], [0], [0], [0, 0, 1, 0], [], []>, transpose_lhs_hint = false} : vector<1024x128xbf16>, vector<1000x128xbf16>, vector<1024x1000xf32> -> vector<1024x1000xf32>
      %convert_element_type3A_69 = arith.truncf %dot_general3A_68 : vector<1024x1000xf32> to vector<1024x1000xbf16>
      %exp23A_70 = math.exp2 %convert_element_type3A_69 : vector<1024x1000xbf16>
      %convert_element_type3A_71 = arith.extf %exp23A_70 : vector<1024x1000xbf16> to vector<1024x1000xf32>
      %reduce_sum3A_72 = arith.constant dense<0.000000e+00> : vector<1024xf32>
      %reduce_sum3A_73 = vector.multi_reduction <add>, %convert_element_type3A_71, %reduce_sum3A_72 [1] : vector<1024x1000xf32> to vector<1024xf32>
      %broadcast_in_dim3A_74 = vector.shape_cast %reduce_sum3A_73 : vector<1024xf32> to vector<1024x1xf32>
      %add3A_75 = arith.addf %add3A_62, %broadcast_in_dim3A_74 : vector<1024x1xf32>
      %add3A_76 = arith.addf %get3A_16, %add3A_75 : vector<1024x1xf32>
      %swap3A = arith.constant 0 : index
      %swap3A_77 = arith.constant 0 : index
      %swap3A_78 = vector.load %arg5[%swap3A, %swap3A_77] : memref<1024x128xf32, #tpu.memory_space<vmem>>, vector<1024x1xf32>
      tpu.vector_store %arg5[%swap3A, %swap3A_77], %add3A_76 {strides = array<i32>} : memref<1024x128xf32, #tpu.memory_space<vmem>>, vector<1024x1xf32>,
    } else {
    }
    %eq3A_9 = arith.constant 20 : i32
    %eq3A_10 = arith.cmpi eq, %arg0, %eq3A_9 : i32
    %convert_element_type3A_11 = arith.extui %eq3A_10 : i1 to i32
    %cond3A_12 = arith.constant 0 : i32
    %cond3A_13 = arith.cmpi ne, %convert_element_type3A_11, %cond3A_12 : i32
    scf.if %cond3A_13 {
      %get3A_14 = arith.constant 0 : index
      %get3A_15 = arith.constant 0 : index
      %get3A_16 = vector.load %arg5[%get3A_14, %get3A_15] : memref<1024x128xf32, #tpu.memory_space<vmem>>, vector<1024x1xf32>
      %get3A_17 = arith.constant 0 : index
      %get3A_18 = arith.constant 0 : index
      %get3A_19 = vector.load %arg3[%get3A_17, %get3A_18] : memref<5000x128xf32, #tpu.memory_space<vmem>>, vector<1000x128xf32>
      %convert_element_type3A_20 = arith.truncf %get3A_19 : vector<1000x128xf32> to vector<1000x128xbf16>
      %dot_general3A = arith.constant dense<0.000000e+00> : vector<1024x1000xf32>
      %dot_general3A_21 = tpu.matmul %get3A_1, %convert_element_type3A_20, %dot_general3A {dimension_numbers = #tpu.dot_dimension_numbers<[1], [1], [0], [0], [0, 0, 1, 0], [], []>, transpose_lhs_hint = false} : vector<1024x128xbf16>, vector<1000x128xbf16>, vector<1024x1000xf32> -> vector<1024x1000xf32>
      %convert_element_type3A_22 = arith.truncf %dot_general3A_21 : vector<1024x1000xf32> to vector<1024x1000xbf16>
      %exp23A = math.exp2 %convert_element_type3A_22 : vector<1024x1000xbf16>
      %convert_element_type3A_23 = arith.extf %exp23A : vector<1024x1000xbf16> to vector<1024x1000xf32>
      %reduce_sum3A = arith.constant dense<0.000000e+00> : vector<1024xf32>
      %reduce_sum3A_24 = vector.multi_reduction <add>, %convert_element_type3A_23, %reduce_sum3A [1] : vector<1024x1000xf32> to vector<1024xf32>
      %broadcast_in_dim3A = vector.shape_cast %reduce_sum3A_24 : vector<1024xf32> to vector<1024x1xf32>
      %get3A_25 = arith.constant 1000 : index
      %get3A_26 = arith.constant 0 : index
      %get3A_27 = vector.load %arg3[%get3A_25, %get3A_26] : memref<5000x128xf32, #tpu.memory_space<vmem>>, vector<1000x128xf32>
      %convert_element_type3A_28 = arith.truncf %get3A_27 : vector<1000x128xf32> to vector<1000x128xbf16>
      %dot_general3A_29 = arith.constant dense<0.000000e+00> : vector<1024x1000xf32>
      %dot_general3A_30 = tpu.matmul %get3A_1, %convert_element_type3A_28, %dot_general3A_29 {dimension_numbers = #tpu.dot_dimension_numbers<[1], [1], [0], [0], [0, 0, 1, 0], [], []>, transpose_lhs_hint = false} : vector<1024x128xbf16>, vector<1000x128xbf16>, vector<1024x1000xf32> -> vector<1024x1000xf32>
      %convert_element_type3A_31 = arith.truncf %dot_general3A_30 : vector<1024x1000xf32> to vector<1024x1000xbf16>
      %exp23A_32 = math.exp2 %convert_element_type3A_31 : vector<1024x1000xbf16>
      %convert_element_type3A_33 = arith.extf %exp23A_32 : vector<1024x1000xbf16> to vector<1024x1000xf32>
      %reduce_sum3A_34 = arith.constant dense<0.000000e+00> : vector<1024xf32>
      %reduce_sum3A_35 = vector.multi_reduction <add>, %convert_element_type3A_33, %reduce_sum3A_34 [1] : vector<1024x1000xf32> to vector<1024xf32>
      %broadcast_in_dim3A_36 = vector.shape_cast %reduce_sum3A_35 : vector<1024xf32> to vector<1024x1xf32>
      %add3A = arith.addf %broadcast_in_dim3A, %broadcast_in_dim3A_36 : vector<1024x1xf32>
      %get3A_37 = arith.constant 2000 : index
      %get3A_38 = arith.constant 0 : index
      %get3A_39 = vector.load %arg3[%get3A_37, %get3A_38] : memref<5000x128xf32, #tpu.memory_space<vmem>>, vector<1000x128xf32>
      %convert_element_type3A_40 = arith.truncf %get3A_39 : vector<1000x128xf32> to vector<1000x128xbf16>
      %dot_general3A_41 = arith.constant dense<0.000000e+00> : vector<1024x1000xf32>
      %dot_general3A_42 = tpu.matmul %get3A_1, %convert_element_type3A_40, %dot_general3A_41 {dimension_numbers = #tpu.dot_dimension_numbers<[1], [1], [0], [0], [0, 0, 1, 0], [], []>, transpose_lhs_hint = false} : vector<1024x128xbf16>, vector<1000x128xbf16>, vector<1024x1000xf32> -> vector<1024x1000xf32>
      %convert_element_type3A_43 = arith.truncf %dot_general3A_42 : vector<1024x1000xf32> to vector<1024x1000xbf16>
      %exp23A_44 = math.exp2 %convert_element_type3A_43 : vector<1024x1000xbf16>
      %convert_element_type3A_45 = arith.extf %exp23A_44 : vector<1024x1000xbf16> to vector<1024x1000xf32>
      %reduce_sum3A_46 = arith.constant dense<0.000000e+00> : vector<1024xf32>
      %reduce_sum3A_47 = vector.multi_reduction <add>, %convert_element_type3A_45, %reduce_sum3A_46 [1] : vector<1024x1000xf32> to vector<1024xf32>
      %broadcast_in_dim3A_48 = vector.shape_cast %reduce_sum3A_47 : vector<1024xf32> to vector<1024x1xf32>
      %add3A_49 = arith.addf %add3A, %broadcast_in_dim3A_48 : vector<1024x1xf32>
      %get3A_50 = arith.constant 3000 : index
      %get3A_51 = arith.constant 0 : index
      %get3A_52 = vector.load %arg3[%get3A_50, %get3A_51] : memref<5000x128xf32, #tpu.memory_space<vmem>>, vector<1000x128xf32>
      %convert_element_type3A_53 = arith.truncf %get3A_52 : vector<1000x128xf32> to vector<1000x128xbf16>
      %dot_general3A_54 = arith.constant dense<0.000000e+00> : vector<1024x1000xf32>
      %dot_general3A_55 = tpu.matmul %get3A_1, %convert_element_type3A_53, %dot_general3A_54 {dimension_numbers = #tpu.dot_dimension_numbers<[1], [1], [0], [0], [0, 0, 1, 0], [], []>, transpose_lhs_hint = false} : vector<1024x128xbf16>, vector<1000x128xbf16>, vector<1024x1000xf32> -> vector<1024x1000xf32>
      %convert_element_type3A_56 = arith.truncf %dot_general3A_55 : vector<1024x1000xf32> to vector<1024x1000xbf16>
      %exp23A_57 = math.exp2 %convert_element_type3A_56 : vector<1024x1000xbf16>
      %convert_element_type3A_58 = arith.extf %exp23A_57 : vector<1024x1000xbf16> to vector<1024x1000xf32>
      %reduce_sum3A_59 = arith.constant dense<0.000000e+00> : vector<1024xf32>
      %reduce_sum3A_60 = vector.multi_reduction <add>, %convert_element_type3A_58, %reduce_sum3A_59 [1] : vector<1024x1000xf32> to vector<1024xf32>
      %broadcast_in_dim3A_61 = vector.shape_cast %reduce_sum3A_60 : vector<1024xf32> to vector<1024x1xf32>
      %add3A_62 = arith.addf %add3A_49, %broadcast_in_dim3A_61 : vector<1024x1xf32>
      %get3A_63 = arith.constant 4000 : index
      %get3A_64 = arith.constant 0 : index
      %get3A_65 = vector.load %arg3[%get3A_63, %get3A_64] : memref<5000x128xf32, #tpu.memory_space<vmem>>, vector<1000x128xf32>
      %convert_element_type3A_66 = arith.truncf %get3A_65 : vector<1000x128xf32> to vector<1000x128xbf16>
      %dot_general3A_67 = arith.constant dense<0.000000e+00> : vector<1024x1000xf32>
      %dot_general3A_68 = tpu.matmul %get3A_1, %convert_element_type3A_66, %dot_general3A_67 {dimension_numbers = #tpu.dot_dimension_numbers<[1], [1], [0], [0], [0, 0, 1, 0], [], []>, transpose_lhs_hint = false} : vector<1024x128xbf16>, vector<1000x128xbf16>, vector<1024x1000xf32> -> vector<1024x1000xf32>
      %convert_element_type3A_69 = arith.truncf %dot_general3A_68 : vector<1024x1000xf32> to vector<1024x1000xbf16>
      %exp23A_70 = math.exp2 %convert_element_type3A_69 : vector<1024x1000xbf16>
      %convert_element_type3A_71 = arith.extf %exp23A_70 : vector<1024x1000xbf16> to vector<1024x1000xf32>
      %reduce_sum3A_72 = arith.constant dense<0.000000e+00> : vector<1024xf32>
      %reduce_sum3A_73 = vector.multi_reduction <add>, %convert_element_type3A_71, %reduce_sum3A_72 [1] : vector<1024x1000xf32> to vector<1024xf32>
      %broadcast_in_dim3A_74 = vector.shape_cast %reduce_sum3A_73 : vector<1024xf32> to vector<1024x1xf32>
      %add3A_75 = arith.addf %add3A_62, %broadcast_in_dim3A_74 : vector<1024x1xf32>
      %add3A_76 = arith.addf %get3A_16, %add3A_75 : vector<1024x1xf32>
      %log3A = math.log %add3A_76 : vector<1024x1xf32>
      %log3A_77 = arith.constant 2.000000e+00 : f32
      %log3A_78 = math.log %log3A_77 : f32
      %div3A = vector.broadcast %log3A_78 : f32 to vector<1024x1xf32>
      %div3A_79 = arith.divf %log3A, %div3A : vector<1024x1xf32>
      %mul3A = arith.constant 0.693147182 : f32
      %mul3A_80 = vector.broadcast %mul3A : f32 to vector<1024x1xf32>
      %mul3A_81 = arith.mulf %mul3A_80, %div3A_79 : vector<1024x1xf32>
      %broadcast_in_dim3A_82 = vector.shape_cast %mul3A_81 : vector<1024x1xf32> to vector<1024x1xf32>
      %broadcast_in_dim3A_83 = vector.broadcast %broadcast_in_dim3A_82 : vector<1024x1xf32> to vector<1024x128xf32>
      %swap3A = arith.constant 0 : index
      %swap3A_84 = arith.constant 0 : index
      %swap3A_85 = vector.load %arg4[%swap3A, %swap3A_84] : memref<1024x128xf32, #tpu.memory_space<vmem>>, vector<1024x128xf32>
      tpu.vector_store %arg4[%swap3A, %swap3A_84], %broadcast_in_dim3A_83 {strides = array<i32>} : memref<1024x128xf32, #tpu.memory_space<vmem>>, vector<1024x128xf32>,
    } else {
    }
    return
  }
  func.func @transform_0(%arg0: i32) -> (i32, i32) {
    %c0_i32 = arith.constant 0 : i32
    %c0_i32_0 = arith.constant 0 : i32
    %c0_i32_1 = arith.constant 0 : i32
    return %c0_i32, %c0_i32_0 : i32, i32
  }
  func.func @transform_1(%arg0: i32) -> (i32, i32) {
    %min3A = arith.constant 19 : i32
    %min3A_0 = arith.minsi %arg0, %min3A : i32
    %c0_i32 = arith.constant 0 : i32
    %c0_i32_1 = arith.constant 0 : i32
    return %min3A_0, %c0_i32 : i32, i32
  }
  func.func @transform_2(%arg0: i32) -> (i32, i32) {
    %c0_i32 = arith.constant 0 : i32
    %c0_i32_0 = arith.constant 0 : i32
    %c0_i32_1 = arith.constant 0 : i32
    return %c0_i32, %c0_i32_0 : i32, i32
  }
  func.func @transform_3(%arg0: i32) -> (i32, i32) {
    %c0_i32 = arith.constant 0 : i32
    %c0_i32_0 = arith.constant 0 : i32
    %c0_i32_1 = arith.constant 0 : i32
    return %c0_i32, %c0_i32_0 : i32, i32
  }
}

module attributes {stable_mosaic.version = 14 : i64} {
  func.func @_loss_body(%arg0: memref<1024x128xf32, #tpu.memory_space<vmem>>, %arg1: memref<1024x128xf32, #tpu.memory_space<vmem>>, %arg2: memref<1024x128xf32, #tpu.memory_space<vmem>>, %arg3: memref<2048x128xf32, #tpu.memory_space<vmem>>, %arg4: memref<8x2048xf32, #tpu.memory_space<vmem>>, %arg5: memref<1024x128xf32, #tpu.memory_space<vmem>>, %arg6: memref<8x128xf32, #tpu.memory_space<vmem>>) attributes {dimension_semantics = [], scalar_prefetch = 0 : i64, scratch_operands = 0 : i64, tpu.core_type = #tpu.core_type<tc>} {
    %get3A = arith.constant 0 : index
    %get3A_0 = arith.constant 0 : index
    %get3A_1 = vector.load %arg0[%get3A, %get3A_0] : memref<1024x128xf32, #tpu.memory_space<vmem>>, vector<1024x128xf32>
    %get3A_2 = arith.constant 0 : index
    %get3A_3 = arith.constant 0 : index
    %get3A_4 = vector.load %arg1[%get3A_2, %get3A_3] : memref<1024x128xf32, #tpu.memory_space<vmem>>, vector<1024x128xf32>
    %get3A_5 = arith.constant 0 : index
    %get3A_6 = arith.constant 0 : index
    %get3A_7 = vector.load %arg2[%get3A_5, %get3A_6] : memref<1024x128xf32, #tpu.memory_space<vmem>>, vector<1024x1xf32>
    %mul3A = arith.mulf %get3A_1, %get3A_4 : vector<1024x128xf32>
    %reduce_sum3A = arith.constant dense<0.000000e+00> : vector<1024xf32>
    %reduce_sum3A_8 = vector.multi_reduction <add>, %mul3A, %reduce_sum3A [1] : vector<1024x128xf32> to vector<1024xf32>
    %broadcast_in_dim3A = vector.shape_cast %reduce_sum3A_8 : vector<1024xf32> to vector<1024x1xf32>
    %mul3A_9 = arith.constant 3.000000e+01 : f32
    %mul3A_10 = vector.broadcast %mul3A_9 : f32 to vector<1024x1xf32>
    %mul3A_11 = arith.mulf %mul3A_10, %broadcast_in_dim3A : vector<1024x1xf32>
    %sub3A = arith.subf %mul3A_11, %get3A_7 : vector<1024x1xf32>
    %exp3A = math.exp %sub3A : vector<1024x1xf32>
    %sub3A_12 = arith.constant 1.000000e+00 : f32
    %sub3A_13 = vector.broadcast %sub3A_12 : f32 to vector<1024x1xf32>
    %sub3A_14 = arith.subf %sub3A_13, %exp3A : vector<1024x1xf32>
    %integer_pow3A = arith.mulf %sub3A_14, %sub3A_14 : vector<1024x1xf32>
    %mul3A_15 = arith.mulf %integer_pow3A, %sub3A : vector<1024x1xf32>
    %neg3A = arith.constant 0.000000e+00 : f32
    %neg3A_16 = vector.broadcast %neg3A : f32 to vector<1024x1xf32>
    %neg3A_17 = arith.subf %neg3A_16, %mul3A_15 : vector<1024x1xf32>
    %broadcast_in_dim3A_18 = vector.shape_cast %neg3A_17 : vector<1024x1xf32> to vector<1024x1xf32>
    %broadcast_in_dim3A_19 = vector.broadcast %broadcast_in_dim3A_18 : vector<1024x1xf32> to vector<1024x128xf32>
    %swap3A = arith.constant 0 : index
    %swap3A_20 = arith.constant 0 : index
    %swap3A_21 = vector.load %arg5[%swap3A, %swap3A_20] : memref<1024x128xf32, #tpu.memory_space<vmem>>, vector<1024x128xf32>
    tpu.vector_store %arg5[%swap3A, %swap3A_20], %broadcast_in_dim3A_19 {strides = array<i32>} : memref<1024x128xf32, #tpu.memory_space<vmem>>, vector<1024x128xf32>,
    %concatenate3A = tpu.concatenate %get3A_1, %get3A_4 in 0 : vector<1024x128xf32>, vector<1024x128xf32> -> vector<2048x128xf32>
    %mul3A_22 = arith.mulf %concatenate3A, %concatenate3A : vector<2048x128xf32>
    %reduce_sum3A_23 = arith.constant dense<0.000000e+00> : vector<2048xf32>
    %reduce_sum3A_24 = vector.multi_reduction <add>, %mul3A_22, %reduce_sum3A_23 [1] : vector<2048x128xf32> to vector<2048xf32>
    %broadcast_in_dim3A_25 = vector.shape_cast %reduce_sum3A_24 : vector<2048xf32> to vector<2048x1xf32>
    %broadcast_in_dim3A_26 = arith.constant 1.000000e+00 : f32
    %broadcast_in_dim3A_27 = vector.broadcast %broadcast_in_dim3A_26 : f32 to vector<1x128xf32>
    %dot_general3A = arith.constant dense<0.000000e+00> : vector<1x2048xf32>
    %dot_general3A_28 = tpu.matmul %broadcast_in_dim3A_27, %mul3A_22, %dot_general3A {dimension_numbers = #tpu.dot_dimension_numbers<[1], [1], [0], [0], [0, 0, 1, 0], [], []>, transpose_lhs_hint = false} : vector<1x128xf32>, vector<2048x128xf32>, vector<1x2048xf32> -> vector<1x2048xf32>
    %dot_general3A_29 = arith.constant dense<0.000000e+00> : vector<2048x2048xf32>
    %dot_general3A_30 = tpu.matmul %concatenate3A, %concatenate3A, %dot_general3A_29 {dimension_numbers = #tpu.dot_dimension_numbers<[1], [1], [0], [0], [0, 0, 1, 0], [], []>, transpose_lhs_hint = false} : vector<2048x128xf32>, vector<2048x128xf32>, vector<2048x2048xf32> -> vector<2048x2048xf32>
    %add3A = vector.broadcast %broadcast_in_dim3A_25 : vector<2048x1xf32> to vector<2048x2048xf32>
    %add3A_31 = vector.broadcast %dot_general3A_28 : vector<1x2048xf32> to vector<2048x2048xf32>
    %add3A_32 = arith.addf %add3A, %add3A_31 : vector<2048x2048xf32>
    %mul3A_33 = arith.constant 2.000000e+00 : f32
    %mul3A_34 = vector.broadcast %mul3A_33 : f32 to vector<2048x2048xf32>
    %mul3A_35 = arith.mulf %mul3A_34, %dot_general3A_30 : vector<2048x2048xf32>
    %sub3A_36 = arith.subf %add3A_32, %mul3A_35 : vector<2048x2048xf32>
    %get3A_37 = arith.constant 0 : index
    %get3A_38 = arith.constant 0 : index
    %get3A_39 = vector.load %arg3[%get3A_37, %get3A_38] : memref<2048x128xf32, #tpu.memory_space<vmem>>, vector<2048x1xf32>
    %get3A_40 = arith.constant 0 : index
    %get3A_41 = arith.constant 0 : index
    %get3A_42 = vector.load %arg4[%get3A_40, %get3A_41] : memref<8x2048xf32, #tpu.memory_space<vmem>>, vector<1x2048xf32>
    %eq3A = vector.broadcast %get3A_39 : vector<2048x1xf32> to vector<2048x2048xf32>
    %eq3A_43 = vector.broadcast %get3A_42 : vector<1x2048xf32> to vector<2048x2048xf32>
    %eq3A_44 = arith.cmpf oeq, %eq3A, %eq3A_43 : vector<2048x2048xf32>
    %convert_element_type3A = arith.extui %eq3A_44 : vector<2048x2048xi1> to vector<2048x2048xi32>
    %convert_element_type3A_45 = arith.sitofp %convert_element_type3A : vector<2048x2048xi32> to vector<2048x2048xf32>
    %convert_element_type3A_46 = arith.truncf %convert_element_type3A_45 : vector<2048x2048xf32> to vector<2048x2048xbf16>
    %broadcast_in_dim3A_47 = arith.constant 1.000000e+00 : bf16
    %broadcast_in_dim3A_48 = vector.broadcast %broadcast_in_dim3A_47 : bf16 to vector<2048x1xbf16>
    %dot_general3A_49 = arith.constant dense<0.000000e+00> : vector<2048x1xf32>
    %dot_general3A_50 = tpu.matmul %convert_element_type3A_46, %broadcast_in_dim3A_48, %dot_general3A_49 {dimension_numbers = #tpu.dot_dimension_numbers<[1], [0], [0], [1], [0, 0, 1, 1], [], []>, transpose_lhs_hint = false} : vector<2048x2048xbf16>, vector<2048x1xbf16>, vector<2048x1xf32> -> vector<2048x1xf32>
    %broadcast_in_dim3A_51 = arith.constant 1.000000e+00 : bf16
    %broadcast_in_dim3A_52 = vector.broadcast %broadcast_in_dim3A_51 : bf16 to vector<1x2048xbf16>
    %dot_general3A_53 = arith.constant dense<0.000000e+00> : vector<1x2048xf32>
    %dot_general3A_54 = tpu.matmul %broadcast_in_dim3A_52, %convert_element_type3A_46, %dot_general3A_53 {dimension_numbers = #tpu.dot_dimension_numbers<[1], [0], [0], [1], [0, 0, 1, 1], [], []>, transpose_lhs_hint = false} : vector<1x2048xbf16>, vector<2048x2048xbf16>, vector<1x2048xf32> -> vector<1x2048xf32>
    %ge3A = arith.constant 0.000000e+00 : f32
    %ge3A_55 = vector.broadcast %ge3A : f32 to vector<2048x1xf32>
    %ge3A_56 = arith.cmpf oge, %get3A_39, %ge3A_55 : vector<2048x1xf32>
    %ge3A_57 = arith.constant 2.000000e+00 : f32
    %ge3A_58 = vector.broadcast %ge3A_57 : f32 to vector<2048x1xf32>
    %ge3A_59 = arith.cmpf oge, %dot_general3A_50, %ge3A_58 : vector<2048x1xf32>
    %and3A = arith.andi %ge3A_56, %ge3A_59 : vector<2048x1xi1>
    %ge3A_60 = arith.constant 0.000000e+00 : f32
    %ge3A_61 = vector.broadcast %ge3A_60 : f32 to vector<1x2048xf32>
    %ge3A_62 = arith.cmpf oge, %get3A_42, %ge3A_61 : vector<1x2048xf32>
    %ge3A_63 = arith.constant 2.000000e+00 : f32
    %ge3A_64 = vector.broadcast %ge3A_63 : f32 to vector<1x2048xf32>
    %ge3A_65 = arith.cmpf oge, %dot_general3A_54, %ge3A_64 : vector<1x2048xf32>
    %and3A_66 = arith.andi %ge3A_62, %ge3A_65 : vector<1x2048xi1>
    %jit3A = arith.constant -1.000000e+30 : f32
    %broadcast_in_dim3A_67 = vector.broadcast %jit3A : f32 to vector<2048x2048xf32>
    %select_n3A = arith.select %eq3A_44, %sub3A_36, %broadcast_in_dim3A_67 : vector<2048x2048xi1>, vector<2048x2048xf32>
    %reduce_max3A = arith.constant dense<0xFF800000> : vector<2048xf32>
    %reduce_max3A_68 = vector.multi_reduction <maximumf>, %select_n3A, %reduce_max3A [1] : vector<2048x2048xf32> to vector<2048xf32>
    %broadcast_in_dim3A_69 = vector.shape_cast %reduce_max3A_68 : vector<2048xf32> to vector<2048x1xf32>
    %jit3A_70 = arith.constant 0.000000e+00 : f32
    %jit3A_71 = arith.constant 1.000000e+30 : f32
    %broadcast_in_dim3A_72 = vector.broadcast %jit3A_70 : f32 to vector<1x2048xf32>
    %broadcast_in_dim3A_73 = vector.broadcast %jit3A_71 : f32 to vector<1x2048xf32>
    %select_n3A_74 = arith.select %and3A_66, %broadcast_in_dim3A_72, %broadcast_in_dim3A_73 : vector<1x2048xi1>, vector<1x2048xf32>
    %add3A_75 = vector.broadcast %select_n3A_74 : vector<1x2048xf32> to vector<2048x2048xf32>
    %add3A_76 = arith.addf %sub3A_36, %add3A_75 : vector<2048x2048xf32>
    %jit3A_77 = arith.constant 1.000000e+30 : f32
    %broadcast_in_dim3A_78 = vector.broadcast %jit3A_77 : f32 to vector<2048x2048xf32>
    %select_n3A_79 = arith.select %eq3A_44, %broadcast_in_dim3A_78, %add3A_76 : vector<2048x2048xi1>, vector<2048x2048xf32>
    %reduce_min3A = arith.constant dense<0x7F800000> : vector<2048xf32>
    %reduce_min3A_80 = vector.multi_reduction <minimumf>, %select_n3A_79, %reduce_min3A [1] : vector<2048x2048xf32> to vector<2048xf32>
    %broadcast_in_dim3A_81 = vector.shape_cast %reduce_min3A_80 : vector<2048xf32> to vector<2048x1xf32>
    %max3A = arith.constant 9.99999996E-13 : f32
    %max3A_82 = vector.broadcast %max3A : f32 to vector<2048x1xf32>
    %max3A_83 = arith.maximumf %broadcast_in_dim3A_69, %max3A_82 : vector<2048x1xf32>
    %sqrt3A = math.sqrt %max3A_83 : vector<2048x1xf32>
    %max3A_84 = arith.constant 9.99999996E-13 : f32
    %max3A_85 = vector.broadcast %max3A_84 : f32 to vector<2048x1xf32>
    %max3A_86 = arith.maximumf %broadcast_in_dim3A_81, %max3A_85 : vector<2048x1xf32>
    %sqrt3A_87 = math.sqrt %max3A_86 : vector<2048x1xf32>
    %gt3A = arith.constant -1.000000e+29 : f32
    %gt3A_88 = vector.broadcast %gt3A : f32 to vector<2048x1xf32>
    %gt3A_89 = arith.cmpf ogt, %broadcast_in_dim3A_69, %gt3A_88 : vector<2048x1xf32>
    %and3A_90 = arith.andi %and3A, %gt3A_89 : vector<2048x1xi1>
    %lt3A = arith.constant 1.000000e+29 : f32
    %lt3A_91 = vector.broadcast %lt3A : f32 to vector<2048x1xf32>
    %lt3A_92 = arith.cmpf olt, %broadcast_in_dim3A_81, %lt3A_91 : vector<2048x1xf32>
    %and3A_93 = arith.andi %and3A_90, %lt3A_92 : vector<2048x1xi1>
    %sub3A_94 = arith.subf %sqrt3A, %sqrt3A_87 : vector<2048x1xf32>
    %add3A_95 = arith.constant 3.000000e-01 : f32
    %add3A_96 = vector.broadcast %add3A_95 : f32 to vector<2048x1xf32>
    %add3A_97 = arith.addf %sub3A_94, %add3A_96 : vector<2048x1xf32>
    %max3A_98 = arith.constant 0.000000e+00 : f32
    %max3A_99 = vector.broadcast %max3A_98 : f32 to vector<2048x1xf32>
    %max3A_100 = arith.maximumf %add3A_97, %max3A_99 : vector<2048x1xf32>
    %jit3A_101 = arith.constant 0.000000e+00 : f32
    %broadcast_in_dim3A_102 = vector.broadcast %jit3A_101 : f32 to vector<2048x1xf32>
    %select_n3A_103 = arith.select %and3A_93, %max3A_100, %broadcast_in_dim3A_102 : vector<2048x1xi1>, vector<2048x1xf32>
    %convert_element_type3A_104 = arith.extui %and3A_93 : vector<2048x1xi1> to vector<2048x1xi32>
    %convert_element_type3A_105 = arith.sitofp %convert_element_type3A_104 : vector<2048x1xi32> to vector<2048x1xf32>
    %reduce_sum3A_106 = arith.constant dense<0.000000e+00> : vector<1xf32>
    %reduce_sum3A_107 = vector.multi_reduction <add>, %convert_element_type3A_105, %reduce_sum3A_106 [0] : vector<2048x1xf32> to vector<1xf32>
    %broadcast_in_dim3A_108 = vector.shape_cast %reduce_sum3A_107 : vector<1xf32> to vector<1x1xf32>
    %max3A_109 = arith.constant 1.000000e+00 : f32
    %max3A_110 = vector.broadcast %max3A_109 : f32 to vector<1x1xf32>
    %max3A_111 = arith.maximumf %broadcast_in_dim3A_108, %max3A_110 : vector<1x1xf32>
    %reduce_sum3A_112 = arith.constant dense<0.000000e+00> : vector<1xf32>
    %reduce_sum3A_113 = vector.multi_reduction <add>, %select_n3A_103, %reduce_sum3A_112 [0] : vector<2048x1xf32> to vector<1xf32>
    %broadcast_in_dim3A_114 = vector.shape_cast %reduce_sum3A_113 : vector<1xf32> to vector<1x1xf32>
    %div3A = arith.divf %broadcast_in_dim3A_114, %max3A_111 : vector<1x1xf32>
    %broadcast_in_dim3A_115 = vector.shape_cast %div3A : vector<1x1xf32> to vector<1x1xf32>
    %broadcast_in_dim3A_116 = vector.broadcast %broadcast_in_dim3A_115 : vector<1x1xf32> to vector<8x128xf32>
    %swap3A_117 = arith.constant 0 : index
    %swap3A_118 = arith.constant 0 : index
    %swap3A_119 = vector.load %arg6[%swap3A_117, %swap3A_118] : memref<8x128xf32, #tpu.memory_space<vmem>>, vector<8x128xf32>
    tpu.vector_store %arg6[%swap3A_117, %swap3A_118], %broadcast_in_dim3A_116 {strides = array<i32>} : memref<8x128xf32, #tpu.memory_space<vmem>>, vector<8x128xf32>,
    return
  }
}

</mosaic_0001>

<sc_bundles>
// kernel: kernel.5.cloned.1.call-start
scs
__scs_entry_jumppad:
0x0: {  	(pc) =	sbr.rel $0x88, $3  }
0x1: {  	(tag) =	ssettag $0x0;
	lr =	simm.s32 $0x1  }
0x2: {  	[smem:$0x3F9D] =	sst lr;
	_ =	strace $0xD0000000  }
0x3: {  	_ = 	snop  }
0x4: {  	_ = 	snop  }
0x5: {  	_ = 	snop  }
0x6: {  	_ = 	snop  }
0x7: {  	_ = 	snop  }
__scs_overlays_trampoline_lowered:
0x8: {  	[smem:$0x3FAC] =	sst s0  }
0x9: {  	[smem:$0x3FAD] =	sst s1  }
0xa: {  	[smem:$0x3FAE] =	sst s2  }
0xb: {  	[smem:$0x3FAF] =	sst s3  }
0xc: {  	[smem:$0x3FB0] =	sst s4  }
0xd: {  	[smem:$0x3FB1] =	sst s5  }
0xe: {  	[smem:$0x3FB2] =	sst s6  }
0xf: {  	[smem:$0x3FB3] =	sst s7  }
0x10: {  	[smem:$0x3FB4] =	sst s8  }
0x11: {  	[smem:$0x3FB5] =	sst s9;
	s0 =	simm.s32 @!p0 $0x0  }
0x12: {  	s1 =	sld [smem:$0x3F9B];
	s0 =	simm.s32 @p0 $0x1  }
0x13: {  	[smem:$0x3FB6] =	sst s0;
	s0 =	simm.s32 @!p1 $0x0  }
0x14: {  	s2 =	sld [smem:$0x3F9A];
	s0 =	simm.s32 @p1 $0x1  }
0x15: {  	[smem:$0x3FB7] =	sst s0;
	s0 =	simm.s32 @!p2 $0x0  }
0x16: {  	s3 =	sld [smem:$0x3FDB];
	s0 =	simm.s32 @p2 $0x1  }
0x17: {  	s4 =	simm.s32 $0x1BF5;
	[smem:$0x3FB9] =	sst s0  }
0x18: {  	s0 =	sld [smem:$0x3F9C];
	_ =	swait.ge [sflag:s4], $0x0  }
0x19: {  	s7 =	sld [smem:$0x3F9D]  }
0x1a: {  	s8 =	sadd.s32 $0xFFFFE003, lr  }
0x1b: {  	s9 =	sadd.s32 $0xFFFFFEF7, lr;
	s5 =	simm.s32 $0xFFFFFFFF;
	p2 =	slt.u32 s8, $0xFFFFF086  }
0x1c: {  	p1 =	slt.u32 s9, $0xF7A;
	s5 =	simm.s32 @!p2 $0x0  }
0x1d: {  	s5 =	simm.s32 @p1 $0x1;
	p0 =	seq.s32 s7, s2  }
0x1e: {  	s7 =	smul.u32 @!p0 $0xF7A, s2;
	p2 =	seq.s32 @!p0 s5, $0x0  }
0x1f: {  	s9 =	smul.u32 $0xF7A, s1;
	s8 =	simm.s32 @!p0 $0x1BF5;
	p2 =	por !p2, p0  }
0x20: {  	[sflag:s8] =	ssyncset.s32 @!p0 $0xFFFFF086;
	s6 =	sadd.s32 @!p0 s3, s7;
	s7 =	simm.s32 @!p0 $0x108  }
0x21: {  	s3 =	sadd.s32 s3, s9;
	s6 =	sadd.s32 @!p0 $0x88, s6;
	s7 =	simm.s32 @p2 $0x1082  }
0x22: {  	[simem:s7], [sflag:s8] =	dma.local @!p0 [hbm:s6], $0xF7A  }
0x23: {  	s9 =	sor.u32 $0xD0000000, s2;
	s6 =	simm.s32 $0x108;
	_ =	swait.ge @!p0 [sflag:s8], $0x0  }
0x24: {  	s3 =	sadd.s32 $0x88, s3;
	s6 =	simm.s32 @!p1 $0x1082;
	[sflag:s4] =	ssyncset.s32 $0xFFFFF086  }
0x25: {  	[simem:s6], [sflag:s4] =	dma.local [hbm:s3], $0xF7A  }
0x26: {  	[smem:$0x3F9D] =	sst s1;
	(tag) =	ssettag s2;
	_ =	strace s9  }
0x27: {  	s1 =	sld [smem:$0x3FAD]  }
0x28: {  	s2 =	sld [smem:$0x3FAE]  }
0x29: {  	s4 =	sld [smem:$0x3FB0]  }
0x2a: {  	p0 =	seq.s32 s5, $0x0;
	s5 =	sld [smem:$0x3FB1]  }
0x2b: {  	s6 =	sld [smem:$0x3FB2]  }
0x2c: {  	s7 =	sld [smem:$0x3FB3]  }
0x2d: {  	s3 =	simm.s32 $0x108;
	s8 =	sld [smem:$0x3FB4]  }
0x2e: {  	s3 =	simm.s32 @!p0 $0x1082;
	s9 =	sld [smem:$0x3FB5]  }
0x2f: {  	lr =	sadd.s32 s0, s3;
	s0 =	sld [smem:$0x3FAC]  }
0x30: {  	s3 =	sld [smem:$0x3FAF]  }
0x31: {  	[smem:$0x3FB8] =	sst s10  }
0x32: {  	s10 =	sld [smem:$0x3FB6];
	_ =	sdelay $0x3  }
0x33: {  	p0 =	seq.s32 s10, $0x1;
	s10 =	sld [smem:$0x3FB8];
	_ =	sdelay $0x3  }
0x34: {  	[smem:$0x3FB8] =	sst s10  }
0x35: {  	s10 =	sld [smem:$0x3FB7];
	_ =	sdelay $0x3  }
0x36: {  	p1 =	seq.s32 s10, $0x1;
	s10 =	sld [smem:$0x3FB8];
	_ =	sdelay $0x3  }
0x37: {  	[smem:$0x3FB8] =	sst s10  }
0x38: {  	s10 =	sld [smem:$0x3FB9]  }
0x39: {  	_ = 	snop;
	(pc) =	sbr.ind lr, $3  }
0x3a: {  	_ = 	snop  }
0x3b: {  	_ = 	snop  }
0x3c: {  	p2 =	seq.s32 s10, $0x1;
	s10 =	sld [smem:$0x3FB8]  }
0x3d: {  	_ =	shalt  }
0x3e: {  	_ =	shalt  }
0x3f: {  	_ =	shalt  }
0x40: {  	_ =	shalt  }
0x41: {  	_ =	shalt  }
0x42: {  	_ =	shalt  }
0x43: {  	_ =	shalt  }
0x44: {  	_ =	shalt  }
0x45: {  	_ =	shalt  }
0x46: {  	_ =	shalt  }
0x47: {  	_ =	shalt  }
0x48: {  	_ =	shalt  }
0x49: {  	_ =	shalt  }
0x4a: {  	_ =	shalt  }
0x4b: {  	_ =	shalt  }
0x4c: {  	_ =	shalt  }
0x4d: {  	_ =	shalt  }
0x4e: {  	_ =	shalt  }
0x4f: {  	_ =	shalt  }
0x50: {  	_ =	shalt  }
0x51: {  	_ =	shalt  }
0x52: {  	_ =	shalt  }
0x53: {  	_ =	shalt  }
0x54: {  	_ =	shalt  }
0x55: {  	_ =	shalt  }
0x56: {  	_ =	shalt  }
0x57: {  	_ =	shalt  }
0x58: {  	_ =	shalt  }
0x59: {  	_ =	shalt  }
0x5a: {  	_ =	shalt  }
0x5b: {  	_ =	shalt  }
0x5c: {  	_ =	shalt  }
0x5d: {  	_ =	shalt  }
0x5e: {  	_ =	shalt  }
0x5f: {  	_ =	shalt  }
0x60: {  	_ =	shalt  }
0x61: {  	_ =	shalt  }
0x62: {  	_ =	shalt  }
0x63: {  	_ =	shalt  }
0x64: {  	_ =	shalt  }
0x65: {  	_ =	shalt  }
0x66: {  	_ =	shalt  }
0x67: {  	_ =	shalt  }
0x68: {  	_ =	shalt  }
0x69: {  	_ =	shalt  }
0x6a: {  	_ =	shalt  }
0x6b: {  	_ =	shalt  }
0x6c: {  	_ =	shalt  }
0x6d: {  	_ =	shalt  }
0x6e: {  	_ =	shalt  }
0x6f: {  	_ =	shalt  }
0x70: {  	_ =	shalt  }
0x71: {  	_ =	shalt  }
0x72: {  	_ =	shalt  }
0x73: {  	_ =	shalt  }
0x74: {  	_ =	shalt  }
0x75: {  	_ =	shalt  }
0x76: {  	_ =	shalt  }
0x77: {  	_ =	shalt  }
0x78: {  	_ =	shalt  }
0x79: {  	_ =	shalt  }
0x7a: {  	_ =	shalt  }
0x7b: {  	_ =	shalt  }
0x7c: {  	_ =	shalt  }
0x7d: {  	_ =	shalt  }
0x7e: {  	_ =	shalt  }
0x7f: {  	_ =	shalt  }
0x80: {  	_ =	shalt  }
0x81: {  	_ =	shalt  }
0x82: {  	_ =	shalt  }
0x83: {  	_ =	shalt  }
0x84: {  	_ =	shalt  }
0x85: {  	_ =	shalt  }
0x86: {  	_ =	shalt  }
0x87: {  	_ =	shalt  }
.Lfunc_end0:
.L_simem_size_0:
called_computation_lowered:
.L_overlay_start_0:
0x88: {  	s2 =	sld [smem:$0x3FD9]  }
0x89: {  	s3 =	sld [smem:$0x3FFE];
	_ =	sdelay $0x1  }
0x8a: {  	s1 =	srdreg.scid  }
0x8b: {  	s0 =	sand.u32 $0x1, s1  }
0x8c: {  	s17 =	sshll.u32 s0, $0xA;
	s2 =	sadd.s32 s3, s2  }
0x8d: {  	s2 =	sadd.s32 s2, s17  }
0x8e: {  	[smem:$0x3FC4] =	sst s2  }
0x8f: {  	_ = 	snop  }
0x90: {  	s2 =	sld [smem:$0x3FC8]  }
0x91: {  	s18 =	sld [smem:$0x3FC7];
	(tm) =	ssettm $0x1  }
0x92: {  	s4 =	sld [smem:$0x3FFB];
	_ =	sdelay $0x3  }
0x93: {  	_ =	strace s4  }
0x94: {  	s4 =	sld [smem:$0x3FFC];
	_ =	sdelay $0x3  }
0x95: {  	_ =	strace s4  }
0x96: {  	s4 =	sld [smem:$0x3FFD];
	_ =	sdelay $0x3  }
0x97: {  	_ =	strace s4  }
0x98: {  	_ =	strace $0x8FFFFFFF  }
0x99: {  	s19 =	sld [smem:$0x3FDB];
	_ =	sdelay $0x1  }
0x9a: {  	s5 =	simm.s32 $_scs_section_size  }
0x9b: {  	s6 =	simm.s32 $_size__tile_overlayer_lowered;
	s7 =	simm.s32 $_tile_overlayer_lowered  }
0x9c: {  	s22 =	simm.s32 $0x1BFF;
	s21 =	sshll.u32 s7, $0x1;
	s4 =	sadd.s32 s5, s19  }
0x9d: {  	s8 =	simm.s32 $0x0;
	s20 =	sshll.u32 s6, $0x1;
	s6 =	sadd.s32 s21, s4  }
0x9e: {  	[timem:s8], [sflag:s22] =	dma.local [hbm:s6], s20  }
0x9f: {  	_ =	swait.ge [sflag:s22], s20  }
0xa0: {  	s5 =	ssub.s32 $0x0, s20;
	[sflag:s22] =	ssyncset.done $0x0  }
0xa1: {  	[sflag:s22] =	ssyncadd.s32 s5;
	_ =	sdelay $0x1  }
0xa2: {  	s23 =	simm.s32 $0x1B8B  }
0xa3: {  	_ =	swait.ge [sflag:s23], $0x1  }
0xa4: {  	[sflag:s23] =	ssyncset.done $0x0  }
0xa5: {  	s25 =	simm.s32 $0x1B8E;
	s24 =	sld [smem:$0x3FFE];
	[sflag:s23] =	ssyncadd.s32 $0xFFFFFFFF  }
0xa6: {  	s26 =	simm.s32 $execute0_lowered;
	[smem:$0x3FD2] =	sst s25  }
0xa7: {  	s6 =	sshll.u32 s26, $0x1;
	_ =	strace $0x80000046;
	[dreg:$0x1] =	wrdreg $0xFFFFFFFF  }
0xa8: {  	s28 =	simm.s32 $_size_execute0_lowered;
	s4 =	sadd.s32 s4, s6;
	[dreg:$0x0] =	wrdreg $0x0  }
0xa9: {  	s6 =	sshll.u32 s28, $0x1;
	[dreg:$0x2] =	wrdreg s4  }
0xaa: {  	[dreg:$0x3] =	wrdreg s6  }
0xab: {  	[dreg:$0x4] =	wrdreg $0xC0  }
0xac: {  	_ =	task [dreg:s8], $0x5FFFF  }
0xad: {  	[dreg:$0x1] =	wrdreg $0xFFFFFFFF  }
0xae: {  	[dreg:$0x0] =	wrdreg $0x60  }
0xaf: {  	[dreg:$0x2] =	wrdreg s18  }
0xb0: {  	[dreg:$0x3] =	wrdreg s2  }
0xb1: {  	[dreg:$0x4] =	wrdreg s24  }
0xb2: {  	[dreg:$0x5] =	wrdreg $0x9  }
0xb3: {  	_ =	task.clear_ibuf [dreg:s8], $0x6FFFF;
	_ =	strace $0x90000046  }
0xb4: {  	s29 =	simm.s32 $0x9;
	_ =	strace $0x80000048  }
0xb5: {  	_ =	swait.ge [sflag:s29], $0x1  }
0xb6: {  	[sflag:s29] =	ssyncadd.s32 $0xFFFFFFFF  }
0xb7: {  	_ =	strace $0x90000048  }
0xb8: {  	_ =	sfence  }
0xb9: {  	s30 =	sld [smem:$0x0];
	_ =	sdelay $0x2  }
0xba: {  	s31 =	sshll.u32 s1, $0xD;
	s1 =	sshrl.u32 s1, $0x2  }
0xbb: {  	s3 =	sand.u32 $0x4000, s31;
	s1 =	sadd.s32 s1, s30  }
0xbc: {  	s0 =	sor.u32 s3, s0;
	s1 =	sshll.u32 s1, $0x11  }
0xbd: {  	s0 =	sor.u32 s1, s0  }
0xbe: {  	s0 =	sadd.s32 $0x8F2B, s0  }
0xbf: {  	[sflag:s0] =	ssyncadd.remote.s32 $0x1  }
0xc0: {  	_ =	sfence.sel $0xFFFF  }
0xc1: {  	[dreg:$0x0] =	wrdreg $0xFFFFFFFF;
	(pc) =	sbr.abs _section_cstart, $3  }
0xc2: {  	[dreg:$0x1] =	wrdreg $0xFFFFFFFF  }
0xc3: {  	_ =	task.clear_ibuf [dreg:s8], $0x2FFFF;
	_ =	strace $0x9FFFFFFF  }
0xc4: {  	(tm) =	ssettm $0x7FFFFFFF  }
0xc5: {  	_ =	shalt  }
tec
execute0_lowered:
.L_overlay_start_1:
0x0: {  	(tag) =	ssettag $0x1  }
0x1: {  	s1 =	rddreg [dreg:$0x0];
	s2 =	srdreg.scid  }
0x2: {  	s4 =	rddreg [dreg:$0x1];
	s0 =	stileid.u32  }
0x3: {  	s9 =	rddreg [dreg:$0x2];
	s3 =	simm.s32 $0x0;
	s6 =	sand.u32 $0x1, s2  }
0x4: {  	s5 =	sshll.u32 s0, $0x6;
	s2 =	rddreg [dreg:$0x3];
	s7 =	sshll.u32 s6, $0x5  }
0x5: {  	s8 =	simm.s32 $0x1;
	[smem:$0x7FF] =	sst s3;
	s10 =	sor.u32 s7, s5  }
0x6: {  	_ =	strace $0x80000047;
	s11 =	ssub.s32 $0x2, s6;
	s5 =	sshrl.u32 s10, $0x3  }
0x7: {  	s6 =	simm.s32 $0x20;
	s5 =	sadd.s32 s4, s5;
	s4 =	simm.s32 $0x2  }
0x8: {  	[tilespmem:s3], [sflag:$0x2] =	stream.linear.gather [hbm4b:s5+s3], $0x20, $0x38;
	[tilespmem:$0x1080] =	vst v63  }
0x9: {  	s7 =	simm.s32 $0x80;
	s12 =	sshrl.u32 s11, $0x1;
	_ =	swait.ge [sflag:s4], $0x20  }
0xa: {  	s10 =	sshll.u32 s10, $0x4;
	s31 =	ssub.s32 s11, s12;
	[sflag:s4] =	ssyncset.done $0x0  }
0xb: {  	s9 =	sadd.s32 s10, s9;
	s10 =	smax.u32 s31, $0x1;
	[sflag:s4] =	ssyncadd.s32 $0xFFFFFFE0  }
0xc: {  	[tilespmem:s7], [sflag:$0x1] =	stream.indirect.gather [hbm4b:s1+s6], $0x80, s3, s6, $0xb8;
	[tilespmem:$0x1080] =	vst v63  }
0xd: {  	p0 =	sne.s32 s10, $0x1;
	_ =	swait.ge [sflag:s8], $0x1000  }
.Ltmp0:
0xe: {  	[sflag:s8] =	ssyncset.done $0x0;
	(pc) =	sbr.rel @!p0 .LBB2_2-.Ltmp0, $4  }
0xf: {  	s9 =	sadd.s32 $0xA00, s9;
	[sflag:s8] =	ssyncadd.s32 $0xFFFFF000  }
0x10: {  	[hbm4b:s9+s3] =	stream.linear.scatter [tilespmem:s7], [sflag:$0x2], $0x1000, $0x38;
	[tilespmem:$0x1080] =	vst v63  }
0x11: {  	_ =	swait.ge [sflag:s4], $0x1000  }
0x12: {  	s10 =	sadd.s32 $0xFFFFFFFF, s10;
	[sflag:s4] =	ssyncset.done $0x0  }
.LBB2_1:
0x13: {  	p0 =	sne.s32 s10, $0x1;
	s10 =	sadd.s32 $0xFFFFFFFF, s10;
	[sflag:s4] =	ssyncadd.s32 $0xFFFFF000  }
0x14: {  	[tilespmem:s3], [sflag:$0x2] =	stream.linear.gather [hbm4b:s5+s3], $0x20, $0x38;
	[tilespmem:$0x1080] =	vst v63  }
0x15: {  	_ =	swait.ge [sflag:s4], $0x20  }
0x16: {  	[sflag:s4] =	ssyncset.done $0x0  }
0x17: {  	[sflag:s4] =	ssyncadd.s32 $0xFFFFFFE0  }
0x18: {  	[tilespmem:s7], [sflag:$0x1] =	stream.indirect.gather [hbm4b:s1+s6], $0x80, s3, s6, $0xb8;
	[tilespmem:$0x1080] =	vst v63  }
0x19: {  	_ =	swait.ge [sflag:s8], $0x1000  }
.Ltmp1:
0x1a: {  	[sflag:s8] =	ssyncset.done $0x0;
	(pc) =	sbr.rel @p0 .LBB2_1-.Ltmp1, $4  }
0x1b: {  	[sflag:s8] =	ssyncadd.s32 $0xFFFFF000  }
0x1c: {  	[hbm4b:s9+s3] =	stream.linear.scatter [tilespmem:s7], [sflag:$0x2], $0x1000, $0x38;
	[tilespmem:$0x1080] =	vst v63  }
0x1d: {  	_ =	swait.ge [sflag:s4], $0x1000  }
0x1e: {  	[sflag:s4] =	ssyncset.done $0x0  }
.LBB2_2:
0x1f: {  	[sflag:s4] =	ssyncadd.s32 $0xFFFFF000  }
0x20: {  	_ =	sfence.sel $0x180000  }
0x21: {  	[bflag:$0x0] =	sbarrier.arrive $0xFFFF  }
0x22: {  	p0 =	sne.s32 s0, $0x0;
	_ =	strace $0x90000047  }
0x23: {  	s0 =	sadd.s32 @!p0 $0x100000, s2;
	[bflag:$0x2] =	sbarrier.arrive $0xFFFF  }
0x24: {  	[sflag:s0] =	ssyncadd.tile.s32 @!p0 $0x1;
	_ =	shalt  }
.Lfunc_end2:
_tile_overlayer_lowered:
.L_overlay_start_2:
0x25: {  	(tag) =	ssettag $0x2  }
0x26: {  	s0 =	rddreg [dreg:$0x0];
	s2 =	stileid.u32  }
0x27: {  	s1 =	rddreg [dreg:$0x1];
	p0 =	sne.s32 s2, $0x0  }
0x28: {  	s3 =	rddreg [dreg:$0x2];
	[bflag:$0x3] =	sbarrier.arrive $0xFFFF;
	s2 =	simm.s32 @!p0 $0x1C02  }
0x29: {  	[timem:s3], [sflag:s2] =	dma.local @!p0 [hbm:s0], s1  }
0x2a: {  	s0 =	simm.s32 @!p0 $0x2  }
0x2b: {  	_ =	swait.ge @!p0 [sflag:s0], s1  }
0x2c: {  	s1 =	ssub.s32 @!p0 $0x0, s1;
	[sflag:s0] =	ssyncset.done @!p0 $0x0  }
0x2d: {  	[sflag:s0] =	ssyncadd.s32 @!p0 s1  }
0x2e: {  	[bflag:$0x3] =	sbarrier.arrive $0xFFFF  }
0x2f: {  	_ =	shalt  }

</sc_bundles>
